<compile_context>
chip_gen: v7x
topology: tpu7x:2x2x1
jax: 0.10.2.dev20260603
libtpu: 0.0.44.dev20260713+nightly
codegen_flags: <defaults>
</compile_context>

<pallas_src>
import functools

import numpy as np
import jax
import jax.numpy as jnp
from jax import lax
from jax.experimental import pallas as pl
from jax.experimental.pallas import tpu as pltpu
from jax.experimental.pallas import tpu_sc as plsc

B = 4096
D = 64
QL = 20
DL = 200
NC = 2
NS = 16
NW = NC * NS
RPW = B // NW
QIW = RPW * QL
DIW = RPW * DL
CH = 128
QCH = QIW // CH
DCH = DIW // CH
NB = 4


def _seg_pattern(n_chunks: int, seg_len: int) -> np.ndarray:
    pos = np.arange(n_chunks * CH, dtype=np.int32)
    base = (pos // seg_len).reshape(1, n_chunks, CH)
    offs = (np.arange(NS, dtype=np.int32) * RPW).reshape(NS, 1, 1)
    return base + offs


_QPAT = _seg_pattern(QCH, QL)
_DPAT = _seg_pattern(DCH, DL)


def _sc_pool(q_table, d_table, qs_flat, ds_flat, qpat, dpat, zeros):
    mesh = plsc.VectorSubcoreMesh(core_axis_name="c", subcore_axis_name="s")

    @functools.partial(
        pl.kernel,
        out_type=[
            jax.ShapeDtypeStruct((B, D), jnp.float32),
            jax.ShapeDtypeStruct((B, D), jnp.float32),
        ],
        mesh=mesh,
        compiler_params=pltpu.CompilerParams(use_tc_tiling_on_sc=False),
        scratch_types=[
            pltpu.VMEM((QIW,), jnp.int32),
            pltpu.VMEM((DIW,), jnp.int32),
            pltpu.VMEM((QCH, CH), jnp.int32),
            pltpu.VMEM((DCH, CH), jnp.int32),
            pltpu.VMEM((NB, CH, D), jnp.float32),
            pltpu.VMEM_SHARED((NS * RPW, D), jnp.float32),
            pltpu.VMEM_SHARED((NS * RPW, D), jnp.float32),
        ] + [pltpu.SemaphoreType.DMA] * (2 * NB),
    )
    def sc_kernel(qt_hbm, dt_hbm, qi_hbm, di_hbm, qp_hbm, dp_hbm, z_hbm,
                  qsum_hbm, dsum_hbm,
                  qidx_v, didx_v, qpat_v, dpat_v, buf_v, qsh, dsh, *sems):
        gsems, ssems = sems[:NB], sems[NB:]
        sid = lax.axis_index("s")
        wid = sid * NC + lax.axis_index("c")

        pltpu.sync_copy(qi_hbm.at[pl.ds(wid * QIW, QIW)], qidx_v)
        pltpu.sync_copy(di_hbm.at[pl.ds(wid * DIW, DIW)], didx_v)
        pltpu.sync_copy(qp_hbm.at[sid], qpat_v)
        pltpu.sync_copy(dp_hbm.at[sid], dpat_v)
        pltpu.sync_copy(z_hbm, qsh.at[pl.ds(sid * RPW, RPW)])
        pltpu.sync_copy(z_hbm, dsh.at[pl.ds(sid * RPW, RPW)])

        def pooled(tab, idx_v, pat_v, acc, n_chunks):
            def g_start(c, b):
                pltpu.async_copy(
                    tab.at[idx_v.at[pl.ds(c * CH, CH)]], buf_v.at[b], gsems[b])

            def g_wait(b):
                pltpu.make_async_copy(
                    tab.at[idx_v.at[pl.ds(0, CH)]], buf_v.at[b], gsems[b]
                ).wait()

            def s_start(c, b):
                pltpu.async_copy(
                    buf_v.at[b], acc.at[pat_v.at[c]], ssems[b], add=True)

            def s_wait(b):
                pltpu.make_async_copy(
                    buf_v.at[b], acc.at[pat_v.at[0]], ssems[b]).wait()

            for b in range(NB):
                g_start(b, b)

            @pl.loop(0, n_chunks // NB - 1)
            def _(g):
                for b in range(NB):
                    g_wait(b)
                    s_start(g * NB + b, b)
                for b in range(NB):
                    s_wait(b)
                    g_start((g + 1) * NB + b, b)

            last = (n_chunks // NB - 1) * NB
            for b in range(NB):
                g_wait(b)
                s_start(last + b, b)
            for b in range(NB):
                s_wait(b)

        pooled(qt_hbm, qidx_v, qpat_v, qsh, QCH)
        pooled(dt_hbm, didx_v, dpat_v, dsh, DCH)

        pltpu.sync_copy(qsh.at[pl.ds(sid * RPW, RPW)],
                        qsum_hbm.at[pl.ds(wid * RPW, RPW)])
        pltpu.sync_copy(dsh.at[pl.ds(sid * RPW, RPW)],
                        dsum_hbm.at[pl.ds(wid * RPW, RPW)])

    return sc_kernel(q_table, d_table, qs_flat, ds_flat, qpat, dpat, zeros)


def _tc_finish(q_sum, d_sum):
    def body(qs_ref, ds_ref, o_ref):
        q = jnp.tanh(qs_ref[...] * (1.0 / QL))
        d = jnp.tanh(ds_ref[...] * (1.0 / DL))
        qn = jnp.maximum(jnp.sqrt(jnp.sum(q * q, axis=1, keepdims=True)), 1e-12)
        dn = jnp.maximum(jnp.sqrt(jnp.sum(d * d, axis=1, keepdims=True)), 1e-12)
        o_ref[...] = jnp.sum((q / qn) * (d / dn), axis=1)

    return pl.pallas_call(
        body,
        out_shape=jax.ShapeDtypeStruct((B,), jnp.float32),
    )(q_sum, d_sum)


def kernel(qs, ds, q_table, d_table):
    qf, df = lax.optimization_barrier((q_table.reshape(-1),
                                       d_table.reshape(-1)))
    q2 = qf.reshape(q_table.shape)
    d2 = df.reshape(d_table.shape)
    zeros = jnp.zeros((RPW, D), jnp.float32)
    q_sum, d_sum = _sc_pool(q2, d2, qs.reshape(-1), ds.reshape(-1),
                            jnp.asarray(_QPAT), jnp.asarray(_DPAT), zeros)
    return _tc_finish(q_sum, d_sum)

# --- scband reference (transcript-rebuilt; emitter-appended) ---
"""Pipeline reference for scband-simple-dssm-88630945120419 (READ-ONLY COPY).

The authoritative reference and input builder live on the scoring server;
editing this copy changes nothing except your own understanding.
"""

import jax, jax.numpy as jnp
import numpy as np

Q_VOCAB = 1000000
D_VOCAB = 1000000
EMBED_DIM = 64
BATCH = 4096
Q_LEN = 20
D_LEN = 200


def setup_inputs(seed: int = 0) -> dict:
    key = jax.random.key(seed)
    k1, k2, k3, k4 = jax.random.split(key, 4)
    qs = jax.random.randint(k1, (BATCH, Q_LEN), 0, Q_VOCAB, dtype=jnp.int64 if jax.config.jax_enable_x64 else jnp.int32).astype(jnp.int32)
    ds = jax.random.randint(k2, (BATCH, D_LEN), 0, D_VOCAB, dtype=jnp.int64 if jax.config.jax_enable_x64 else jnp.int32).astype(jnp.int32)
    q_table = jax.random.normal(k3, (Q_VOCAB, EMBED_DIM), dtype=jnp.float32)
    d_table = jax.random.normal(k4, (D_VOCAB, EMBED_DIM), dtype=jnp.float32)
    return {"qs": qs, "ds": ds, "q_table": q_table, "d_table": d_table}


def _l2_normalize(x, axis=1, eps=1e-12):
    # matches torch F.normalize(p=2): x / max(||x||, eps)
    n = jnp.sqrt(jnp.sum(x * x, axis=axis, keepdims=True))
    return x / jnp.maximum(n, eps)


def reference(qs, ds, q_table, d_table):
    # embedding lookups (SparseCore gather)
    qs_emb = jnp.take(q_table, qs, axis=0)  # [B, Lq, D]
    ds_emb = jnp.take(d_table, ds, axis=0)  # [B, Ld, D]
    # mean-pool over sequence, tanh
    q_rep = jnp.tanh(jnp.mean(qs_emb, axis=1))  # [B, D]
    d_rep = jnp.tanh(jnp.mean(ds_emb, axis=1))  # [B, D]
    # cosine similarity per row
    nx = _l2_normalize(q_rep, axis=1)
    ny = _l2_normalize(d_rep, axis=1)
    sims = jnp.einsum('bs,bs->b', nx, ny)  # [B]
    return sims

if __name__ == "__main__":
    import jax
    _d = setup_inputs()
    print(jax.jit(kernel)(*tuple(_d.values())))

</pallas_src>

<mosaic_0001>
#map = affine_map<(d0, d1) -> (0, 0)>
#map1 = affine_map<(d0, d1) -> (0)>
#map2 = affine_map<(d0, d1) -> (0, 0, 0)>
module attributes {stable_mosaic.version = 14 : i64} {
  func.func @sc_kernel(%arg0: i32, %arg1: i32, %arg2: memref<1000000x64xf32, #tpu.memory_space<hbm>>, %arg3: memref<1000000x64xf32, #tpu.memory_space<hbm>>, %arg4: memref<81920xi32, #tpu.memory_space<hbm>>, %arg5: memref<819200xi32, #tpu.memory_space<hbm>>, %arg6: memref<16x20x128xi32, #tpu.memory_space<hbm>>, %arg7: memref<16x200x128xi32, #tpu.memory_space<hbm>>, %arg8: memref<128x64xf32, #tpu.memory_space<hbm>>, %arg9: memref<4096x64xf32, #tpu.memory_space<hbm>>, %arg10: memref<4096x64xf32, #tpu.memory_space<hbm>>, %arg11: memref<2560xi32, #tpu.memory_space<vmem>>, %arg12: memref<25600xi32, #tpu.memory_space<vmem>>, %arg13: memref<20x128xi32, #tpu.memory_space<vmem>>, %arg14: memref<200x128xi32, #tpu.memory_space<vmem>>, %arg15: memref<4x128x64xf32, #tpu.memory_space<vmem>>, %arg16: memref<2048x64xf32, #tpu.memory_space<vmem_shared>>, %arg17: memref<2048x64xf32, #tpu.memory_space<vmem_shared>>, %arg18: memref<!tpu.dma_semaphore, #tpu.memory_space<semaphore_mem>>, %arg19: memref<!tpu.dma_semaphore, #tpu.memory_space<semaphore_mem>>, %arg20: memref<!tpu.dma_semaphore, #tpu.memory_space<semaphore_mem>>, %arg21: memref<!tpu.dma_semaphore, #tpu.memory_space<semaphore_mem>>, %arg22: memref<!tpu.dma_semaphore, #tpu.memory_space<semaphore_mem>>, %arg23: memref<!tpu.dma_semaphore, #tpu.memory_space<semaphore_mem>>, %arg24: memref<!tpu.dma_semaphore, #tpu.memory_space<semaphore_mem>>, %arg25: memref<!tpu.dma_semaphore, #tpu.memory_space<semaphore_mem>>) attributes {dimension_semantics = [#tpu.dimension_semantics<core_parallel>, #tpu.dimension_semantics<subcore_parallel>], iteration_bounds = array<i64: 2, 16>, scalar_prefetch = 0 : i64, scratch_operands = 15 : i64, tpu.core_type = #tpu.core_type<sc_vector_subcore>, window_params = [{transform_indices = #map}, {transform_indices = #map}, {transform_indices = #map1}, {transform_indices = #map1}, {transform_indices = #map2}, {transform_indices = #map2}, {transform_indices = #map}, {transform_indices = #map}, {transform_indices = #map}]} {
    %mul3A = arith.constant 2 : i32
    %mul3A_0 = arith.muli %arg1, %mul3A : i32
    %add3A = arith.addi %mul3A_0, %arg0 : i32
    %mul3A_1 = arith.constant 2560 : i32
    %mul3A_2 = arith.muli %add3A, %mul3A_1 : i32
    "tpu.region"() ({
      %run_scoped3A = tpu.sem_alloc : memref<!tpu.dma_semaphore, #tpu.memory_space<semaphore_mem>>
      %dma_start3A_376 = tpu.memref_slice %arg4[%mul3A_2] : memref<81920xi32, #tpu.memory_space<hbm>> -> memref<2560xi32, #tpu.memory_space<hbm>>
      %dma_start3A_377 = tpu.memref_slice %arg4[%mul3A_2] : memref<81920xi32, #tpu.memory_space<hbm>> -> memref<2560xi32, #tpu.memory_space<hbm>>
      tpu.enqueue_dma source(%dma_start3A_377 : memref<2560xi32, #tpu.memory_space<hbm>>) target(%arg11 : memref<2560xi32, #tpu.memory_space<vmem>>) target_semaphore(%run_scoped3A : memref<!tpu.dma_semaphore, #tpu.memory_space<semaphore_mem>>)
      %dma_wait3A_378 = tpu.memref_slice %arg4[%mul3A_2] : memref<81920xi32, #tpu.memory_space<hbm>> -> memref<2560xi32, #tpu.memory_space<hbm>>
      %dma_wait3A_379 = tpu.memref_slice %arg4[%mul3A_2] : memref<81920xi32, #tpu.memory_space<hbm>> -> memref<2560xi32, #tpu.memory_space<hbm>>
      tpu.wait_dma2 semaphore(%run_scoped3A : memref<!tpu.dma_semaphore, #tpu.memory_space<semaphore_mem>>) src(%dma_wait3A_379 : memref<2560xi32, #tpu.memory_space<hbm>>) dst(%arg11 : memref<2560xi32, #tpu.memory_space<vmem>>)
      tpu.yield
    }) : () -> ()
    %mul3A_3 = arith.constant 25600 : i32
    %mul3A_4 = arith.muli %add3A, %mul3A_3 : i32
    "tpu.region"() ({
      %run_scoped3A = tpu.sem_alloc : memref<!tpu.dma_semaphore, #tpu.memory_space<semaphore_mem>>
      %dma_start3A_376 = tpu.memref_slice %arg5[%mul3A_4] : memref<819200xi32, #tpu.memory_space<hbm>> -> memref<25600xi32, #tpu.memory_space<hbm>>
      %dma_start3A_377 = tpu.memref_slice %arg5[%mul3A_4] : memref<819200xi32, #tpu.memory_space<hbm>> -> memref<25600xi32, #tpu.memory_space<hbm>>
      tpu.enqueue_dma source(%dma_start3A_377 : memref<25600xi32, #tpu.memory_space<hbm>>) target(%arg12 : memref<25600xi32, #tpu.memory_space<vmem>>) target_semaphore(%run_scoped3A : memref<!tpu.dma_semaphore, #tpu.memory_space<semaphore_mem>>)
      %dma_wait3A_378 = tpu.memref_slice %arg5[%mul3A_4] : memref<819200xi32, #tpu.memory_space<hbm>> -> memref<25600xi32, #tpu.memory_space<hbm>>
      %dma_wait3A_379 = tpu.memref_slice %arg5[%mul3A_4] : memref<819200xi32, #tpu.memory_space<hbm>> -> memref<25600xi32, #tpu.memory_space<hbm>>
      tpu.wait_dma2 semaphore(%run_scoped3A : memref<!tpu.dma_semaphore, #tpu.memory_space<semaphore_mem>>) src(%dma_wait3A_379 : memref<25600xi32, #tpu.memory_space<hbm>>) dst(%arg12 : memref<25600xi32, #tpu.memory_space<vmem>>)
      tpu.yield
    }) : () -> ()
    "tpu.region"() ({
      %run_scoped3A = tpu.sem_alloc : memref<!tpu.dma_semaphore, #tpu.memory_space<semaphore_mem>>
      %dma_start3A_376 = arith.constant 0 : i32
      %dma_start3A_377 = arith.constant 0 : i32
      %dma_start3A_378 = tpu.memref_slice %arg6[%arg1, %dma_start3A_376, %dma_start3A_377] : memref<16x20x128xi32, #tpu.memory_space<hbm>> -> memref<1x20x128xi32, #tpu.memory_space<hbm>>
      %dma_start3A_379 = tpu.memref_squeeze %dma_start3A_378 : memref<1x20x128xi32, #tpu.memory_space<hbm>> -> memref<20x128xi32, #tpu.memory_space<hbm>>
      %dma_start3A_380 = arith.constant 0 : i32
      %dma_start3A_381 = arith.constant 0 : i32
      %dma_start3A_382 = tpu.memref_slice %arg6[%arg1, %dma_start3A_380, %dma_start3A_381] : memref<16x20x128xi32, #tpu.memory_space<hbm>> -> memref<1x20x128xi32, #tpu.memory_space<hbm>>
      %dma_start3A_383 = tpu.memref_squeeze %dma_start3A_382 : memref<1x20x128xi32, #tpu.memory_space<hbm>> -> memref<20x128xi32, #tpu.memory_space<hbm>>
      tpu.enqueue_dma source(%dma_start3A_383 : memref<20x128xi32, #tpu.memory_space<hbm>>) target(%arg13 : memref<20x128xi32, #tpu.memory_space<vmem>>) target_semaphore(%run_scoped3A : memref<!tpu.dma_semaphore, #tpu.memory_space<semaphore_mem>>)
      %dma_wait3A_384 = arith.constant 0 : i32
      %dma_wait3A_385 = arith.constant 0 : i32
      %dma_wait3A_386 = tpu.memref_slice %arg6[%arg1, %dma_wait3A_384, %dma_wait3A_385] : memref<16x20x128xi32, #tpu.memory_space<hbm>> -> memref<1x20x128xi32, #tpu.memory_space<hbm>>
      %dma_wait3A_387 = tpu.memref_squeeze %dma_wait3A_386 : memref<1x20x128xi32, #tpu.memory_space<hbm>> -> memref<20x128xi32, #tpu.memory_space<hbm>>
      %dma_wait3A_388 = arith.constant 0 : i32
      %dma_wait3A_389 = arith.constant 0 : i32
      %dma_wait3A_390 = tpu.memref_slice %arg6[%arg1, %dma_wait3A_388, %dma_wait3A_389] : memref<16x20x128xi32, #tpu.memory_space<hbm>> -> memref<1x20x128xi32, #tpu.memory_space<hbm>>
      %dma_wait3A_391 = tpu.memref_squeeze %dma_wait3A_390 : memref<1x20x128xi32, #tpu.memory_space<hbm>> -> memref<20x128xi32, #tpu.memory_space<hbm>>
      tpu.wait_dma2 semaphore(%run_scoped3A : memref<!tpu.dma_semaphore, #tpu.memory_space<semaphore_mem>>) src(%dma_wait3A_391 : memref<20x128xi32, #tpu.memory_space<hbm>>) dst(%arg13 : memref<20x128xi32, #tpu.memory_space<vmem>>)
      tpu.yield
    }) : () -> ()
    "tpu.region"() ({
      %run_scoped3A = tpu.sem_alloc : memref<!tpu.dma_semaphore, #tpu.memory_space<semaphore_mem>>
      %dma_start3A_376 = arith.constant 0 : i32
      %dma_start3A_377 = arith.constant 0 : i32
      %dma_start3A_378 = tpu.memref_slice %arg7[%arg1, %dma_start3A_376, %dma_start3A_377] : memref<16x200x128xi32, #tpu.memory_space<hbm>> -> memref<1x200x128xi32, #tpu.memory_space<hbm>>
      %dma_start3A_379 = tpu.memref_squeeze %dma_start3A_378 : memref<1x200x128xi32, #tpu.memory_space<hbm>> -> memref<200x128xi32, #tpu.memory_space<hbm>>
      %dma_start3A_380 = arith.constant 0 : i32
      %dma_start3A_381 = arith.constant 0 : i32
      %dma_start3A_382 = tpu.memref_slice %arg7[%arg1, %dma_start3A_380, %dma_start3A_381] : memref<16x200x128xi32, #tpu.memory_space<hbm>> -> memref<1x200x128xi32, #tpu.memory_space<hbm>>
      %dma_start3A_383 = tpu.memref_squeeze %dma_start3A_382 : memref<1x200x128xi32, #tpu.memory_space<hbm>> -> memref<200x128xi32, #tpu.memory_space<hbm>>
      tpu.enqueue_dma source(%dma_start3A_383 : memref<200x128xi32, #tpu.memory_space<hbm>>) target(%arg14 : memref<200x128xi32, #tpu.memory_space<vmem>>) target_semaphore(%run_scoped3A : memref<!tpu.dma_semaphore, #tpu.memory_space<semaphore_mem>>)
      %dma_wait3A_384 = arith.constant 0 : i32
      %dma_wait3A_385 = arith.constant 0 : i32
      %dma_wait3A_386 = tpu.memref_slice %arg7[%arg1, %dma_wait3A_384, %dma_wait3A_385] : memref<16x200x128xi32, #tpu.memory_space<hbm>> -> memref<1x200x128xi32, #tpu.memory_space<hbm>>
      %dma_wait3A_387 = tpu.memref_squeeze %dma_wait3A_386 : memref<1x200x128xi32, #tpu.memory_space<hbm>> -> memref<200x128xi32, #tpu.memory_space<hbm>>
      %dma_wait3A_388 = arith.constant 0 : i32
      %dma_wait3A_389 = arith.constant 0 : i32
      %dma_wait3A_390 = tpu.memref_slice %arg7[%arg1, %dma_wait3A_388, %dma_wait3A_389] : memref<16x200x128xi32, #tpu.memory_space<hbm>> -> memref<1x200x128xi32, #tpu.memory_space<hbm>>
      %dma_wait3A_391 = tpu.memref_squeeze %dma_wait3A_390 : memref<1x200x128xi32, #tpu.memory_space<hbm>> -> memref<200x128xi32, #tpu.memory_space<hbm>>
      tpu.wait_dma2 semaphore(%run_scoped3A : memref<!tpu.dma_semaphore, #tpu.memory_space<semaphore_mem>>) src(%dma_wait3A_391 : memref<200x128xi32, #tpu.memory_space<hbm>>) dst(%arg14 : memref<200x128xi32, #tpu.memory_space<vmem>>)
      tpu.yield
    }) : () -> ()
    %mul3A_5 = arith.constant 128 : i32
    %mul3A_6 = arith.muli %arg1, %mul3A_5 : i32
    "tpu.region"() ({
      %run_scoped3A = tpu.sem_alloc : memref<!tpu.dma_semaphore, #tpu.memory_space<semaphore_mem>>
      %dma_start3A_376 = arith.constant 0 : i32
      %dma_start3A_377 = tpu.memref_slice %arg16[%mul3A_6, %dma_start3A_376] : memref<2048x64xf32, #tpu.memory_space<vmem_shared>> -> memref<128x64xf32, #tpu.memory_space<vmem_shared>>
      tpu.enqueue_dma source(%arg8 : memref<128x64xf32, #tpu.memory_space<hbm>>) target(%dma_start3A_377 : memref<128x64xf32, #tpu.memory_space<vmem_shared>>) target_semaphore(%run_scoped3A : memref<!tpu.dma_semaphore, #tpu.memory_space<semaphore_mem>>)
      %dma_wait3A_378 = arith.constant 0 : i32
      %dma_wait3A_379 = tpu.memref_slice %arg16[%mul3A_6, %dma_wait3A_378] : memref<2048x64xf32, #tpu.memory_space<vmem_shared>> -> memref<128x64xf32, #tpu.memory_space<vmem_shared>>
      tpu.wait_dma2 semaphore(%run_scoped3A : memref<!tpu.dma_semaphore, #tpu.memory_space<semaphore_mem>>) src(%arg8 : memref<128x64xf32, #tpu.memory_space<hbm>>) dst(%dma_wait3A_379 : memref<128x64xf32, #tpu.memory_space<vmem_shared>>)
      tpu.yield
    }) : () -> ()
    %mul3A_7 = arith.constant 128 : i32
    %mul3A_8 = arith.muli %arg1, %mul3A_7 : i32
    "tpu.region"() ({
      %run_scoped3A = tpu.sem_alloc : memref<!tpu.dma_semaphore, #tpu.memory_space<semaphore_mem>>
      %dma_start3A_376 = arith.constant 0 : i32
      %dma_start3A_377 = tpu.memref_slice %arg17[%mul3A_8, %dma_start3A_376] : memref<2048x64xf32, #tpu.memory_space<vmem_shared>> -> memref<128x64xf32, #tpu.memory_space<vmem_shared>>
      tpu.enqueue_dma source(%arg8 : memref<128x64xf32, #tpu.memory_space<hbm>>) target(%dma_start3A_377 : memref<128x64xf32, #tpu.memory_space<vmem_shared>>) target_semaphore(%run_scoped3A : memref<!tpu.dma_semaphore, #tpu.memory_space<semaphore_mem>>)
      %dma_wait3A_378 = arith.constant 0 : i32
      %dma_wait3A_379 = tpu.memref_slice %arg17[%mul3A_8, %dma_wait3A_378] : memref<2048x64xf32, #tpu.memory_space<vmem_shared>> -> memref<128x64xf32, #tpu.memory_space<vmem_shared>>
      tpu.wait_dma2 semaphore(%run_scoped3A : memref<!tpu.dma_semaphore, #tpu.memory_space<semaphore_mem>>) src(%arg8 : memref<128x64xf32, #tpu.memory_space<hbm>>) dst(%dma_wait3A_379 : memref<128x64xf32, #tpu.memory_space<vmem_shared>>)
      tpu.yield
    }) : () -> ()
    %dma_start3A = arith.constant 0 : i32
    %dma_start3A_9 = arith.constant 0 : i32
    %dma_start3A_10 = arith.constant 0 : i32
    %dma_start3A_11 = tpu.memref_slice %arg15[%dma_start3A, %dma_start3A_9, %dma_start3A_10] : memref<4x128x64xf32, #tpu.memory_space<vmem>> -> memref<1x128x64xf32, #tpu.memory_space<vmem>>
    %dma_start3A_12 = tpu.memref_squeeze %dma_start3A_11 : memref<1x128x64xf32, #tpu.memory_space<vmem>> -> memref<128x64xf32, #tpu.memory_space<vmem>>
    %dma_start3A_13 = arith.constant 0 : i32
    %dma_start3A_14 = tpu.memref_slice %arg11[%dma_start3A_13] : memref<2560xi32, #tpu.memory_space<vmem>> -> memref<128xi32, #tpu.memory_space<vmem>>
    %dma_start3A_15 = arith.constant 0 : i32
    %dma_start3A_16 = arith.constant 0 : i32
    %dma_start3A_17 = tpu.memref_slice %arg2[%dma_start3A_15, %dma_start3A_16] : memref<1000000x64xf32, #tpu.memory_space<hbm>> -> memref<1000000x64xf32, #tpu.memory_space<hbm>>
    tpu.enqueue_indirect_dma source(%dma_start3A_17 : memref<1000000x64xf32, #tpu.memory_space<hbm>>) target(%dma_start3A_12 : memref<128x64xf32, #tpu.memory_space<vmem>>) offsets(%dma_start3A_14 : memref<128xi32, #tpu.memory_space<vmem>>) semaphore(%arg18 : memref<!tpu.dma_semaphore, #tpu.memory_space<semaphore_mem>>)
    %dma_start3A_18 = arith.constant 1 : i32
    %dma_start3A_19 = arith.constant 0 : i32
    %dma_start3A_20 = arith.constant 0 : i32
    %dma_start3A_21 = tpu.memref_slice %arg15[%dma_start3A_18, %dma_start3A_19, %dma_start3A_20] : memref<4x128x64xf32, #tpu.memory_space<vmem>> -> memref<1x128x64xf32, #tpu.memory_space<vmem>>
    %dma_start3A_22 = tpu.memref_squeeze %dma_start3A_21 : memref<1x128x64xf32, #tpu.memory_space<vmem>> -> memref<128x64xf32, #tpu.memory_space<vmem>>
    %dma_start3A_23 = arith.constant 128 : i32
    %dma_start3A_24 = tpu.memref_slice %arg11[%dma_start3A_23] : memref<2560xi32, #tpu.memory_space<vmem>> -> memref<128xi32, #tpu.memory_space<vmem>>
    %dma_start3A_25 = arith.constant 0 : i32
    %dma_start3A_26 = arith.constant 0 : i32
    %dma_start3A_27 = tpu.memref_slice %arg2[%dma_start3A_25, %dma_start3A_26] : memref<1000000x64xf32, #tpu.memory_space<hbm>> -> memref<1000000x64xf32, #tpu.memory_space<hbm>>
    tpu.enqueue_indirect_dma source(%dma_start3A_27 : memref<1000000x64xf32, #tpu.memory_space<hbm>>) target(%dma_start3A_22 : memref<128x64xf32, #tpu.memory_space<vmem>>) offsets(%dma_start3A_24 : memref<128xi32, #tpu.memory_space<vmem>>) semaphore(%arg19 : memref<!tpu.dma_semaphore, #tpu.memory_space<semaphore_mem>>)
    %dma_start3A_28 = arith.constant 2 : i32
    %dma_start3A_29 = arith.constant 0 : i32
    %dma_start3A_30 = arith.constant 0 : i32
    %dma_start3A_31 = tpu.memref_slice %arg15[%dma_start3A_28, %dma_start3A_29, %dma_start3A_30] : memref<4x128x64xf32, #tpu.memory_space<vmem>> -> memref<1x128x64xf32, #tpu.memory_space<vmem>>
    %dma_start3A_32 = tpu.memref_squeeze %dma_start3A_31 : memref<1x128x64xf32, #tpu.memory_space<vmem>> -> memref<128x64xf32, #tpu.memory_space<vmem>>
    %dma_start3A_33 = arith.constant 256 : i32
    %dma_start3A_34 = tpu.memref_slice %arg11[%dma_start3A_33] : memref<2560xi32, #tpu.memory_space<vmem>> -> memref<128xi32, #tpu.memory_space<vmem>>
    %dma_start3A_35 = arith.constant 0 : i32
    %dma_start3A_36 = arith.constant 0 : i32
    %dma_start3A_37 = tpu.memref_slice %arg2[%dma_start3A_35, %dma_start3A_36] : memref<1000000x64xf32, #tpu.memory_space<hbm>> -> memref<1000000x64xf32, #tpu.memory_space<hbm>>
    tpu.enqueue_indirect_dma source(%dma_start3A_37 : memref<1000000x64xf32, #tpu.memory_space<hbm>>) target(%dma_start3A_32 : memref<128x64xf32, #tpu.memory_space<vmem>>) offsets(%dma_start3A_34 : memref<128xi32, #tpu.memory_space<vmem>>) semaphore(%arg20 : memref<!tpu.dma_semaphore, #tpu.memory_space<semaphore_mem>>)
    %dma_start3A_38 = arith.constant 3 : i32
    %dma_start3A_39 = arith.constant 0 : i32
    %dma_start3A_40 = arith.constant 0 : i32
    %dma_start3A_41 = tpu.memref_slice %arg15[%dma_start3A_38, %dma_start3A_39, %dma_start3A_40] : memref<4x128x64xf32, #tpu.memory_space<vmem>> -> memref<1x128x64xf32, #tpu.memory_space<vmem>>
    %dma_start3A_42 = tpu.memref_squeeze %dma_start3A_41 : memref<1x128x64xf32, #tpu.memory_space<vmem>> -> memref<128x64xf32, #tpu.memory_space<vmem>>
    %dma_start3A_43 = arith.constant 384 : i32
    %dma_start3A_44 = tpu.memref_slice %arg11[%dma_start3A_43] : memref<2560xi32, #tpu.memory_space<vmem>> -> memref<128xi32, #tpu.memory_space<vmem>>
    %dma_start3A_45 = arith.constant 0 : i32
    %dma_start3A_46 = arith.constant 0 : i32
    %dma_start3A_47 = tpu.memref_slice %arg2[%dma_start3A_45, %dma_start3A_46] : memref<1000000x64xf32, #tpu.memory_space<hbm>> -> memref<1000000x64xf32, #tpu.memory_space<hbm>>
    tpu.enqueue_indirect_dma source(%dma_start3A_47 : memref<1000000x64xf32, #tpu.memory_space<hbm>>) target(%dma_start3A_42 : memref<128x64xf32, #tpu.memory_space<vmem>>) offsets(%dma_start3A_44 : memref<128xi32, #tpu.memory_space<vmem>>) semaphore(%arg21 : memref<!tpu.dma_semaphore, #tpu.memory_space<semaphore_mem>>)
    %scan3A = arith.constant 0 : i32
    %scan3A_48 = arith.constant 4 : i32
    %scan3A_49 = arith.addi %scan3A, %scan3A_48 : i32
    %scan3A_50 = arith.constant 1 : i32
    scf.for %scan3A_376 = %scan3A to %scan3A_49 step %scan3A_50  : i32 {
      %mul3A_377 = arith.constant 1 : i32
      %mul3A_378 = arith.muli %scan3A_376, %mul3A_377 : i32
      %add3A_379 = arith.constant 0 : i32
      %add3A_380 = arith.addi %add3A_379, %mul3A_378 : i32
      %dma_wait3A_381 = arith.constant 0 : i32
      %dma_wait3A_382 = arith.constant 0 : i32
      %dma_wait3A_383 = arith.constant 0 : i32
      %dma_wait3A_384 = tpu.memref_slice %arg15[%dma_wait3A_381, %dma_wait3A_382, %dma_wait3A_383] : memref<4x128x64xf32, #tpu.memory_space<vmem>> -> memref<1x128x64xf32, #tpu.memory_space<vmem>>
      %dma_wait3A_385 = tpu.memref_squeeze %dma_wait3A_384 : memref<1x128x64xf32, #tpu.memory_space<vmem>> -> memref<128x64xf32, #tpu.memory_space<vmem>>
      %dma_wait3A_386 = arith.constant 0 : i32
      %dma_wait3A_387 = tpu.memref_slice %arg11[%dma_wait3A_386] : memref<2560xi32, #tpu.memory_space<vmem>> -> memref<128xi32, #tpu.memory_space<vmem>>
      %dma_wait3A_388 = arith.constant 0 : i32
      %dma_wait3A_389 = arith.constant 0 : i32
      %dma_wait3A_390 = tpu.memref_slice %arg2[%dma_wait3A_388, %dma_wait3A_389] : memref<1000000x64xf32, #tpu.memory_space<hbm>> -> memref<1000000x64xf32, #tpu.memory_space<hbm>>
      tpu.wait_indirect_dma semaphore(%arg18 : memref<!tpu.dma_semaphore, #tpu.memory_space<semaphore_mem>>) src(%dma_wait3A_390 : memref<1000000x64xf32, #tpu.memory_space<hbm>>) dst(%dma_wait3A_385 : memref<128x64xf32, #tpu.memory_space<vmem>>)
      %mul3A_391 = arith.constant 4 : i32
      %mul3A_392 = arith.muli %add3A_380, %mul3A_391 : i32
      %add3A_393 = arith.constant 0 : i32
      %add3A_394 = arith.addi %mul3A_392, %add3A_393 : i32
      %dma_start3A_395 = arith.constant 0 : i32
      %dma_start3A_396 = arith.constant 0 : i32
      %dma_start3A_397 = arith.constant 0 : i32
      %dma_start3A_398 = tpu.memref_slice %arg15[%dma_start3A_395, %dma_start3A_396, %dma_start3A_397] : memref<4x128x64xf32, #tpu.memory_space<vmem>> -> memref<1x128x64xf32, #tpu.memory_space<vmem>>
      %dma_start3A_399 = tpu.memref_squeeze %dma_start3A_398 : memref<1x128x64xf32, #tpu.memory_space<vmem>> -> memref<128x64xf32, #tpu.memory_space<vmem>>
      %dma_start3A_400 = arith.constant 0 : i32
      %dma_start3A_401 = tpu.memref_slice %arg13[%add3A_394, %dma_start3A_400] : memref<20x128xi32, #tpu.memory_space<vmem>> -> memref<1x128xi32, #tpu.memory_space<vmem>>
      %dma_start3A_402 = tpu.memref_squeeze %dma_start3A_401 : memref<1x128xi32, #tpu.memory_space<vmem>> -> memref<128xi32, #tpu.memory_space<vmem>>
      %dma_start3A_403 = arith.constant 0 : i32
      %dma_start3A_404 = arith.constant 0 : i32
      %dma_start3A_405 = tpu.memref_slice %arg16[%dma_start3A_403, %dma_start3A_404] : memref<2048x64xf32, #tpu.memory_space<vmem_shared>> -> memref<2048x64xf32, #tpu.memory_space<vmem_shared>>
      tpu.enqueue_indirect_dma source(%dma_start3A_399 : memref<128x64xf32, #tpu.memory_space<vmem>>) target(%dma_start3A_405 : memref<2048x64xf32, #tpu.memory_space<vmem_shared>>) offsets(%dma_start3A_402 : memref<128xi32, #tpu.memory_space<vmem>>) semaphore(%arg22 : memref<!tpu.dma_semaphore, #tpu.memory_space<semaphore_mem>>) {add = true}
      %dma_wait3A_406 = arith.constant 1 : i32
      %dma_wait3A_407 = arith.constant 0 : i32
      %dma_wait3A_408 = arith.constant 0 : i32
      %dma_wait3A_409 = tpu.memref_slice %arg15[%dma_wait3A_406, %dma_wait3A_407, %dma_wait3A_408] : memref<4x128x64xf32, #tpu.memory_space<vmem>> -> memref<1x128x64xf32, #tpu.memory_space<vmem>>
      %dma_wait3A_410 = tpu.memref_squeeze %dma_wait3A_409 : memref<1x128x64xf32, #tpu.memory_space<vmem>> -> memref<128x64xf32, #tpu.memory_space<vmem>>
      %dma_wait3A_411 = arith.constant 0 : i32
      %dma_wait3A_412 = tpu.memref_slice %arg11[%dma_wait3A_411] : memref<2560xi32, #tpu.memory_space<vmem>> -> memref<128xi32, #tpu.memory_space<vmem>>
      %dma_wait3A_413 = arith.constant 0 : i32
      %dma_wait3A_414 = arith.constant 0 : i32
      %dma_wait3A_415 = tpu.memref_slice %arg2[%dma_wait3A_413, %dma_wait3A_414] : memref<1000000x64xf32, #tpu.memory_space<hbm>> -> memref<1000000x64xf32, #tpu.memory_space<hbm>>
      tpu.wait_indirect_dma semaphore(%arg19 : memref<!tpu.dma_semaphore, #tpu.memory_space<semaphore_mem>>) src(%dma_wait3A_415 : memref<1000000x64xf32, #tpu.memory_space<hbm>>) dst(%dma_wait3A_410 : memref<128x64xf32, #tpu.memory_space<vmem>>)
      %mul3A_416 = arith.constant 4 : i32
      %mul3A_417 = arith.muli %add3A_380, %mul3A_416 : i32
      %add3A_418 = arith.constant 1 : i32
      %add3A_419 = arith.addi %mul3A_417, %add3A_418 : i32
      %dma_start3A_420 = arith.constant 1 : i32
      %dma_start3A_421 = arith.constant 0 : i32
      %dma_start3A_422 = arith.constant 0 : i32
      %dma_start3A_423 = tpu.memref_slice %arg15[%dma_start3A_420, %dma_start3A_421, %dma_start3A_422] : memref<4x128x64xf32, #tpu.memory_space<vmem>> -> memref<1x128x64xf32, #tpu.memory_space<vmem>>
      %dma_start3A_424 = tpu.memref_squeeze %dma_start3A_423 : memref<1x128x64xf32, #tpu.memory_space<vmem>> -> memref<128x64xf32, #tpu.memory_space<vmem>>
      %dma_start3A_425 = arith.constant 0 : i32
      %dma_start3A_426 = tpu.memref_slice %arg13[%add3A_419, %dma_start3A_425] : memref<20x128xi32, #tpu.memory_space<vmem>> -> memref<1x128xi32, #tpu.memory_space<vmem>>
      %dma_start3A_427 = tpu.memref_squeeze %dma_start3A_426 : memref<1x128xi32, #tpu.memory_space<vmem>> -> memref<128xi32, #tpu.memory_space<vmem>>
      %dma_start3A_428 = arith.constant 0 : i32
      %dma_start3A_429 = arith.constant 0 : i32
      %dma_start3A_430 = tpu.memref_slice %arg16[%dma_start3A_428, %dma_start3A_429] : memref<2048x64xf32, #tpu.memory_space<vmem_shared>> -> memref<2048x64xf32, #tpu.memory_space<vmem_shared>>
      tpu.enqueue_indirect_dma source(%dma_start3A_424 : memref<128x64xf32, #tpu.memory_space<vmem>>) target(%dma_start3A_430 : memref<2048x64xf32, #tpu.memory_space<vmem_shared>>) offsets(%dma_start3A_427 : memref<128xi32, #tpu.memory_space<vmem>>) semaphore(%arg23 : memref<!tpu.dma_semaphore, #tpu.memory_space<semaphore_mem>>) {add = true}
      %dma_wait3A_431 = arith.constant 2 : i32
      %dma_wait3A_432 = arith.constant 0 : i32
      %dma_wait3A_433 = arith.constant 0 : i32
      %dma_wait3A_434 = tpu.memref_slice %arg15[%dma_wait3A_431, %dma_wait3A_432, %dma_wait3A_433] : memref<4x128x64xf32, #tpu.memory_space<vmem>> -> memref<1x128x64xf32, #tpu.memory_space<vmem>>
      %dma_wait3A_435 = tpu.memref_squeeze %dma_wait3A_434 : memref<1x128x64xf32, #tpu.memory_space<vmem>> -> memref<128x64xf32, #tpu.memory_space<vmem>>
      %dma_wait3A_436 = arith.constant 0 : i32
      %dma_wait3A_437 = tpu.memref_slice %arg11[%dma_wait3A_436] : memref<2560xi32, #tpu.memory_space<vmem>> -> memref<128xi32, #tpu.memory_space<vmem>>
      %dma_wait3A_438 = arith.constant 0 : i32
      %dma_wait3A_439 = arith.constant 0 : i32
      %dma_wait3A_440 = tpu.memref_slice %arg2[%dma_wait3A_438, %dma_wait3A_439] : memref<1000000x64xf32, #tpu.memory_space<hbm>> -> memref<1000000x64xf32, #tpu.memory_space<hbm>>
      tpu.wait_indirect_dma semaphore(%arg20 : memref<!tpu.dma_semaphore, #tpu.memory_space<semaphore_mem>>) src(%dma_wait3A_440 : memref<1000000x64xf32, #tpu.memory_space<hbm>>) dst(%dma_wait3A_435 : memref<128x64xf32, #tpu.memory_space<vmem>>)
      %mul3A_441 = arith.constant 4 : i32
      %mul3A_442 = arith.muli %add3A_380, %mul3A_441 : i32
      %add3A_443 = arith.constant 2 : i32
      %add3A_444 = arith.addi %mul3A_442, %add3A_443 : i32
      %dma_start3A_445 = arith.constant 2 : i32
      %dma_start3A_446 = arith.constant 0 : i32
      %dma_start3A_447 = arith.constant 0 : i32
      %dma_start3A_448 = tpu.memref_slice %arg15[%dma_start3A_445, %dma_start3A_446, %dma_start3A_447] : memref<4x128x64xf32, #tpu.memory_space<vmem>> -> memref<1x128x64xf32, #tpu.memory_space<vmem>>
      %dma_start3A_449 = tpu.memref_squeeze %dma_start3A_448 : memref<1x128x64xf32, #tpu.memory_space<vmem>> -> memref<128x64xf32, #tpu.memory_space<vmem>>
      %dma_start3A_450 = arith.constant 0 : i32
      %dma_start3A_451 = tpu.memref_slice %arg13[%add3A_444, %dma_start3A_450] : memref<20x128xi32, #tpu.memory_space<vmem>> -> memref<1x128xi32, #tpu.memory_space<vmem>>
      %dma_start3A_452 = tpu.memref_squeeze %dma_start3A_451 : memref<1x128xi32, #tpu.memory_space<vmem>> -> memref<128xi32, #tpu.memory_space<vmem>>
      %dma_start3A_453 = arith.constant 0 : i32
      %dma_start3A_454 = arith.constant 0 : i32
      %dma_start3A_455 = tpu.memref_slice %arg16[%dma_start3A_453, %dma_start3A_454] : memref<2048x64xf32, #tpu.memory_space<vmem_shared>> -> memref<2048x64xf32, #tpu.memory_space<vmem_shared>>
      tpu.enqueue_indirect_dma source(%dma_start3A_449 : memref<128x64xf32, #tpu.memory_space<vmem>>) target(%dma_start3A_455 : memref<2048x64xf32, #tpu.memory_space<vmem_shared>>) offsets(%dma_start3A_452 : memref<128xi32, #tpu.memory_space<vmem>>) semaphore(%arg24 : memref<!tpu.dma_semaphore, #tpu.memory_space<semaphore_mem>>) {add = true}
      %dma_wait3A_456 = arith.constant 3 : i32
      %dma_wait3A_457 = arith.constant 0 : i32
      %dma_wait3A_458 = arith.constant 0 : i32
      %dma_wait3A_459 = tpu.memref_slice %arg15[%dma_wait3A_456, %dma_wait3A_457, %dma_wait3A_458] : memref<4x128x64xf32, #tpu.memory_space<vmem>> -> memref<1x128x64xf32, #tpu.memory_space<vmem>>
      %dma_wait3A_460 = tpu.memref_squeeze %dma_wait3A_459 : memref<1x128x64xf32, #tpu.memory_space<vmem>> -> memref<128x64xf32, #tpu.memory_space<vmem>>
      %dma_wait3A_461 = arith.constant 0 : i32
      %dma_wait3A_462 = tpu.memref_slice %arg11[%dma_wait3A_461] : memref<2560xi32, #tpu.memory_space<vmem>> -> memref<128xi32, #tpu.memory_space<vmem>>
      %dma_wait3A_463 = arith.constant 0 : i32
      %dma_wait3A_464 = arith.constant 0 : i32
      %dma_wait3A_465 = tpu.memref_slice %arg2[%dma_wait3A_463, %dma_wait3A_464] : memref<1000000x64xf32, #tpu.memory_space<hbm>> -> memref<1000000x64xf32, #tpu.memory_space<hbm>>
      tpu.wait_indirect_dma semaphore(%arg21 : memref<!tpu.dma_semaphore, #tpu.memory_space<semaphore_mem>>) src(%dma_wait3A_465 : memref<1000000x64xf32, #tpu.memory_space<hbm>>) dst(%dma_wait3A_460 : memref<128x64xf32, #tpu.memory_space<vmem>>)
      %mul3A_466 = arith.constant 4 : i32
      %mul3A_467 = arith.muli %add3A_380, %mul3A_466 : i32
      %add3A_468 = arith.constant 3 : i32
      %add3A_469 = arith.addi %mul3A_467, %add3A_468 : i32
      %dma_start3A_470 = arith.constant 3 : i32
      %dma_start3A_471 = arith.constant 0 : i32
      %dma_start3A_472 = arith.constant 0 : i32
      %dma_start3A_473 = tpu.memref_slice %arg15[%dma_start3A_470, %dma_start3A_471, %dma_start3A_472] : memref<4x128x64xf32, #tpu.memory_space<vmem>> -> memref<1x128x64xf32, #tpu.memory_space<vmem>>
      %dma_start3A_474 = tpu.memref_squeeze %dma_start3A_473 : memref<1x128x64xf32, #tpu.memory_space<vmem>> -> memref<128x64xf32, #tpu.memory_space<vmem>>
      %dma_start3A_475 = arith.constant 0 : i32
      %dma_start3A_476 = tpu.memref_slice %arg13[%add3A_469, %dma_start3A_475] : memref<20x128xi32, #tpu.memory_space<vmem>> -> memref<1x128xi32, #tpu.memory_space<vmem>>
      %dma_start3A_477 = tpu.memref_squeeze %dma_start3A_476 : memref<1x128xi32, #tpu.memory_space<vmem>> -> memref<128xi32, #tpu.memory_space<vmem>>
      %dma_start3A_478 = arith.constant 0 : i32
      %dma_start3A_479 = arith.constant 0 : i32
      %dma_start3A_480 = tpu.memref_slice %arg16[%dma_start3A_478, %dma_start3A_479] : memref<2048x64xf32, #tpu.memory_space<vmem_shared>> -> memref<2048x64xf32, #tpu.memory_space<vmem_shared>>
      tpu.enqueue_indirect_dma source(%dma_start3A_474 : memref<128x64xf32, #tpu.memory_space<vmem>>) target(%dma_start3A_480 : memref<2048x64xf32, #tpu.memory_space<vmem_shared>>) offsets(%dma_start3A_477 : memref<128xi32, #tpu.memory_space<vmem>>) semaphore(%arg25 : memref<!tpu.dma_semaphore, #tpu.memory_space<semaphore_mem>>) {add = true}
      %dma_wait3A_481 = arith.constant 0 : i32
      %dma_wait3A_482 = arith.constant 0 : i32
      %dma_wait3A_483 = arith.constant 0 : i32
      %dma_wait3A_484 = arith.constant 0 : i32
      %dma_wait3A_485 = tpu.memref_slice %arg15[%dma_wait3A_481, %dma_wait3A_483, %dma_wait3A_484] : memref<4x128x64xf32, #tpu.memory_space<vmem>> -> memref<1x128x64xf32, #tpu.memory_space<vmem>>
      %dma_wait3A_486 = tpu.memref_squeeze %dma_wait3A_485 : memref<1x128x64xf32, #tpu.memory_space<vmem>> -> memref<128x64xf32, #tpu.memory_space<vmem>>
      %dma_wait3A_487 = arith.constant 0 : i32
      %dma_wait3A_488 = tpu.memref_slice %arg13[%dma_wait3A_482, %dma_wait3A_487] : memref<20x128xi32, #tpu.memory_space<vmem>> -> memref<1x128xi32, #tpu.memory_space<vmem>>
      %dma_wait3A_489 = tpu.memref_squeeze %dma_wait3A_488 : memref<1x128xi32, #tpu.memory_space<vmem>> -> memref<128xi32, #tpu.memory_space<vmem>>
      %dma_wait3A_490 = arith.constant 0 : i32
      %dma_wait3A_491 = arith.constant 0 : i32
      %dma_wait3A_492 = tpu.memref_slice %arg16[%dma_wait3A_490, %dma_wait3A_491] : memref<2048x64xf32, #tpu.memory_space<vmem_shared>> -> memref<2048x64xf32, #tpu.memory_space<vmem_shared>>
      tpu.wait_indirect_dma semaphore(%arg22 : memref<!tpu.dma_semaphore, #tpu.memory_space<semaphore_mem>>) src(%dma_wait3A_486 : memref<128x64xf32, #tpu.memory_space<vmem>>) dst(%dma_wait3A_492 : memref<2048x64xf32, #tpu.memory_space<vmem_shared>>)
      %add3A_493 = arith.constant 1 : i32
      %add3A_494 = arith.addi %add3A_380, %add3A_493 : i32
      %mul3A_495 = arith.constant 4 : i32
      %mul3A_496 = arith.muli %add3A_494, %mul3A_495 : i32
      %add3A_497 = arith.constant 0 : i32
      %add3A_498 = arith.addi %mul3A_496, %add3A_497 : i32
      %mul3A_499 = arith.constant 128 : i32
      %mul3A_500 = arith.muli %add3A_498, %mul3A_499 : i32
      %dma_start3A_501 = arith.constant 0 : i32
      %dma_start3A_502 = arith.constant 0 : i32
      %dma_start3A_503 = arith.constant 0 : i32
      %dma_start3A_504 = tpu.memref_slice %arg15[%dma_start3A_501, %dma_start3A_502, %dma_start3A_503] : memref<4x128x64xf32, #tpu.memory_space<vmem>> -> memref<1x128x64xf32, #tpu.memory_space<vmem>>
      %dma_start3A_505 = tpu.memref_squeeze %dma_start3A_504 : memref<1x128x64xf32, #tpu.memory_space<vmem>> -> memref<128x64xf32, #tpu.memory_space<vmem>>
      %dma_start3A_506 = tpu.memref_slice %arg11[%mul3A_500] : memref<2560xi32, #tpu.memory_space<vmem>> -> memref<128xi32, #tpu.memory_space<vmem>>
      %dma_start3A_507 = arith.constant 0 : i32
      %dma_start3A_508 = arith.constant 0 : i32
      %dma_start3A_509 = tpu.memref_slice %arg2[%dma_start3A_507, %dma_start3A_508] : memref<1000000x64xf32, #tpu.memory_space<hbm>> -> memref<1000000x64xf32, #tpu.memory_space<hbm>>
      tpu.enqueue_indirect_dma source(%dma_start3A_509 : memref<1000000x64xf32, #tpu.memory_space<hbm>>) target(%dma_start3A_505 : memref<128x64xf32, #tpu.memory_space<vmem>>) offsets(%dma_start3A_506 : memref<128xi32, #tpu.memory_space<vmem>>) semaphore(%arg18 : memref<!tpu.dma_semaphore, #tpu.memory_space<semaphore_mem>>)
      %dma_wait3A_510 = arith.constant 1 : i32
      %dma_wait3A_511 = arith.constant 0 : i32
      %dma_wait3A_512 = arith.constant 0 : i32
      %dma_wait3A_513 = arith.constant 0 : i32
      %dma_wait3A_514 = tpu.memref_slice %arg15[%dma_wait3A_510, %dma_wait3A_512, %dma_wait3A_513] : memref<4x128x64xf32, #tpu.memory_space<vmem>> -> memref<1x128x64xf32, #tpu.memory_space<vmem>>
      %dma_wait3A_515 = tpu.memref_squeeze %dma_wait3A_514 : memref<1x128x64xf32, #tpu.memory_space<vmem>> -> memref<128x64xf32, #tpu.memory_space<vmem>>
      %dma_wait3A_516 = arith.constant 0 : i32
      %dma_wait3A_517 = tpu.memref_slice %arg13[%dma_wait3A_511, %dma_wait3A_516] : memref<20x128xi32, #tpu.memory_space<vmem>> -> memref<1x128xi32, #tpu.memory_space<vmem>>
      %dma_wait3A_518 = tpu.memref_squeeze %dma_wait3A_517 : memref<1x128xi32, #tpu.memory_space<vmem>> -> memref<128xi32, #tpu.memory_space<vmem>>
      %dma_wait3A_519 = arith.constant 0 : i32
      %dma_wait3A_520 = arith.constant 0 : i32
      %dma_wait3A_521 = tpu.memref_slice %arg16[%dma_wait3A_519, %dma_wait3A_520] : memref<2048x64xf32, #tpu.memory_space<vmem_shared>> -> memref<2048x64xf32, #tpu.memory_space<vmem_shared>>
      tpu.wait_indirect_dma semaphore(%arg23 : memref<!tpu.dma_semaphore, #tpu.memory_space<semaphore_mem>>) src(%dma_wait3A_515 : memref<128x64xf32, #tpu.memory_space<vmem>>) dst(%dma_wait3A_521 : memref<2048x64xf32, #tpu.memory_space<vmem_shared>>)
      %add3A_522 = arith.constant 1 : i32
      %add3A_523 = arith.addi %add3A_380, %add3A_522 : i32
      %mul3A_524 = arith.constant 4 : i32
      %mul3A_525 = arith.muli %add3A_523, %mul3A_524 : i32
      %add3A_526 = arith.constant 1 : i32
      %add3A_527 = arith.addi %mul3A_525, %add3A_526 : i32
      %mul3A_528 = arith.constant 128 : i32
      %mul3A_529 = arith.muli %add3A_527, %mul3A_528 : i32
      %dma_start3A_530 = arith.constant 1 : i32
      %dma_start3A_531 = arith.constant 0 : i32
      %dma_start3A_532 = arith.constant 0 : i32
      %dma_start3A_533 = tpu.memref_slice %arg15[%dma_start3A_530, %dma_start3A_531, %dma_start3A_532] : memref<4x128x64xf32, #tpu.memory_space<vmem>> -> memref<1x128x64xf32, #tpu.memory_space<vmem>>
      %dma_start3A_534 = tpu.memref_squeeze %dma_start3A_533 : memref<1x128x64xf32, #tpu.memory_space<vmem>> -> memref<128x64xf32, #tpu.memory_space<vmem>>
      %dma_start3A_535 = tpu.memref_slice %arg11[%mul3A_529] : memref<2560xi32, #tpu.memory_space<vmem>> -> memref<128xi32, #tpu.memory_space<vmem>>
      %dma_start3A_536 = arith.constant 0 : i32
      %dma_start3A_537 = arith.constant 0 : i32
      %dma_start3A_538 = tpu.memref_slice %arg2[%dma_start3A_536, %dma_start3A_537] : memref<1000000x64xf32, #tpu.memory_space<hbm>> -> memref<1000000x64xf32, #tpu.memory_space<hbm>>
      tpu.enqueue_indirect_dma source(%dma_start3A_538 : memref<1000000x64xf32, #tpu.memory_space<hbm>>) target(%dma_start3A_534 : memref<128x64xf32, #tpu.memory_space<vmem>>) offsets(%dma_start3A_535 : memref<128xi32, #tpu.memory_space<vmem>>) semaphore(%arg19 : memref<!tpu.dma_semaphore, #tpu.memory_space<semaphore_mem>>)
      %dma_wait3A_539 = arith.constant 2 : i32
      %dma_wait3A_540 = arith.constant 0 : i32
      %dma_wait3A_541 = arith.constant 0 : i32
      %dma_wait3A_542 = arith.constant 0 : i32
      %dma_wait3A_543 = tpu.memref_slice %arg15[%dma_wait3A_539, %dma_wait3A_541, %dma_wait3A_542] : memref<4x128x64xf32, #tpu.memory_space<vmem>> -> memref<1x128x64xf32, #tpu.memory_space<vmem>>
      %dma_wait3A_544 = tpu.memref_squeeze %dma_wait3A_543 : memref<1x128x64xf32, #tpu.memory_space<vmem>> -> memref<128x64xf32, #tpu.memory_space<vmem>>
      %dma_wait3A_545 = arith.constant 0 : i32
      %dma_wait3A_546 = tpu.memref_slice %arg13[%dma_wait3A_540, %dma_wait3A_545] : memref<20x128xi32, #tpu.memory_space<vmem>> -> memref<1x128xi32, #tpu.memory_space<vmem>>
      %dma_wait3A_547 = tpu.memref_squeeze %dma_wait3A_546 : memref<1x128xi32, #tpu.memory_space<vmem>> -> memref<128xi32, #tpu.memory_space<vmem>>
      %dma_wait3A_548 = arith.constant 0 : i32
      %dma_wait3A_549 = arith.constant 0 : i32
      %dma_wait3A_550 = tpu.memref_slice %arg16[%dma_wait3A_548, %dma_wait3A_549] : memref<2048x64xf32, #tpu.memory_space<vmem_shared>> -> memref<2048x64xf32, #tpu.memory_space<vmem_shared>>
      tpu.wait_indirect_dma semaphore(%arg24 : memref<!tpu.dma_semaphore, #tpu.memory_space<semaphore_mem>>) src(%dma_wait3A_544 : memref<128x64xf32, #tpu.memory_space<vmem>>) dst(%dma_wait3A_550 : memref<2048x64xf32, #tpu.memory_space<vmem_shared>>)
      %add3A_551 = arith.constant 1 : i32
      %add3A_552 = arith.addi %add3A_380, %add3A_551 : i32
      %mul3A_553 = arith.constant 4 : i32
      %mul3A_554 = arith.muli %add3A_552, %mul3A_553 : i32
      %add3A_555 = arith.constant 2 : i32
      %add3A_556 = arith.addi %mul3A_554, %add3A_555 : i32
      %mul3A_557 = arith.constant 128 : i32
      %mul3A_558 = arith.muli %add3A_556, %mul3A_557 : i32
      %dma_start3A_559 = arith.constant 2 : i32
      %dma_start3A_560 = arith.constant 0 : i32
      %dma_start3A_561 = arith.constant 0 : i32
      %dma_start3A_562 = tpu.memref_slice %arg15[%dma_start3A_559, %dma_start3A_560, %dma_start3A_561] : memref<4x128x64xf32, #tpu.memory_space<vmem>> -> memref<1x128x64xf32, #tpu.memory_space<vmem>>
      %dma_start3A_563 = tpu.memref_squeeze %dma_start3A_562 : memref<1x128x64xf32, #tpu.memory_space<vmem>> -> memref<128x64xf32, #tpu.memory_space<vmem>>
      %dma_start3A_564 = tpu.memref_slice %arg11[%mul3A_558] : memref<2560xi32, #tpu.memory_space<vmem>> -> memref<128xi32, #tpu.memory_space<vmem>>
      %dma_start3A_565 = arith.constant 0 : i32
      %dma_start3A_566 = arith.constant 0 : i32
      %dma_start3A_567 = tpu.memref_slice %arg2[%dma_start3A_565, %dma_start3A_566] : memref<1000000x64xf32, #tpu.memory_space<hbm>> -> memref<1000000x64xf32, #tpu.memory_space<hbm>>
      tpu.enqueue_indirect_dma source(%dma_start3A_567 : memref<1000000x64xf32, #tpu.memory_space<hbm>>) target(%dma_start3A_563 : memref<128x64xf32, #tpu.memory_space<vmem>>) offsets(%dma_start3A_564 : memref<128xi32, #tpu.memory_space<vmem>>) semaphore(%arg20 : memref<!tpu.dma_semaphore, #tpu.memory_space<semaphore_mem>>)
      %dma_wait3A_568 = arith.constant 3 : i32
      %dma_wait3A_569 = arith.constant 0 : i32
      %dma_wait3A_570 = arith.constant 0 : i32
      %dma_wait3A_571 = arith.constant 0 : i32
      %dma_wait3A_572 = tpu.memref_slice %arg15[%dma_wait3A_568, %dma_wait3A_570, %dma_wait3A_571] : memref<4x128x64xf32, #tpu.memory_space<vmem>> -> memref<1x128x64xf32, #tpu.memory_space<vmem>>
      %dma_wait3A_573 = tpu.memref_squeeze %dma_wait3A_572 : memref<1x128x64xf32, #tpu.memory_space<vmem>> -> memref<128x64xf32, #tpu.memory_space<vmem>>
      %dma_wait3A_574 = arith.constant 0 : i32
      %dma_wait3A_575 = tpu.memref_slice %arg13[%dma_wait3A_569, %dma_wait3A_574] : memref<20x128xi32, #tpu.memory_space<vmem>> -> memref<1x128xi32, #tpu.memory_space<vmem>>
      %dma_wait3A_576 = tpu.memref_squeeze %dma_wait3A_575 : memref<1x128xi32, #tpu.memory_space<vmem>> -> memref<128xi32, #tpu.memory_space<vmem>>
      %dma_wait3A_577 = arith.constant 0 : i32
      %dma_wait3A_578 = arith.constant 0 : i32
      %dma_wait3A_579 = tpu.memref_slice %arg16[%dma_wait3A_577, %dma_wait3A_578] : memref<2048x64xf32, #tpu.memory_space<vmem_shared>> -> memref<2048x64xf32, #tpu.memory_space<vmem_shared>>
      tpu.wait_indirect_dma semaphore(%arg25 : memref<!tpu.dma_semaphore, #tpu.memory_space<semaphore_mem>>) src(%dma_wait3A_573 : memref<128x64xf32, #tpu.memory_space<vmem>>) dst(%dma_wait3A_579 : memref<2048x64xf32, #tpu.memory_space<vmem_shared>>)
      %add3A_580 = arith.constant 1 : i32
      %add3A_581 = arith.addi %add3A_380, %add3A_580 : i32
      %mul3A_582 = arith.constant 4 : i32
      %mul3A_583 = arith.muli %add3A_581, %mul3A_582 : i32
      %add3A_584 = arith.constant 3 : i32
      %add3A_585 = arith.addi %mul3A_583, %add3A_584 : i32
      %mul3A_586 = arith.constant 128 : i32
      %mul3A_587 = arith.muli %add3A_585, %mul3A_586 : i32
      %dma_start3A_588 = arith.constant 3 : i32
      %dma_start3A_589 = arith.constant 0 : i32
      %dma_start3A_590 = arith.constant 0 : i32
      %dma_start3A_591 = tpu.memref_slice %arg15[%dma_start3A_588, %dma_start3A_589, %dma_start3A_590] : memref<4x128x64xf32, #tpu.memory_space<vmem>> -> memref<1x128x64xf32, #tpu.memory_space<vmem>>
      %dma_start3A_592 = tpu.memref_squeeze %dma_start3A_591 : memref<1x128x64xf32, #tpu.memory_space<vmem>> -> memref<128x64xf32, #tpu.memory_space<vmem>>
      %dma_start3A_593 = tpu.memref_slice %arg11[%mul3A_587] : memref<2560xi32, #tpu.memory_space<vmem>> -> memref<128xi32, #tpu.memory_space<vmem>>
      %dma_start3A_594 = arith.constant 0 : i32
      %dma_start3A_595 = arith.constant 0 : i32
      %dma_start3A_596 = tpu.memref_slice %arg2[%dma_start3A_594, %dma_start3A_595] : memref<1000000x64xf32, #tpu.memory_space<hbm>> -> memref<1000000x64xf32, #tpu.memory_space<hbm>>
      tpu.enqueue_indirect_dma source(%dma_start3A_596 : memref<1000000x64xf32, #tpu.memory_space<hbm>>) target(%dma_start3A_592 : memref<128x64xf32, #tpu.memory_space<vmem>>) offsets(%dma_start3A_593 : memref<128xi32, #tpu.memory_space<vmem>>) semaphore(%arg21 : memref<!tpu.dma_semaphore, #tpu.memory_space<semaphore_mem>>)
    }
    %scan3A_51 = arith.constant 4 : i32
    %dma_wait3A = arith.constant 0 : i32
    %dma_wait3A_52 = arith.constant 0 : i32
    %dma_wait3A_53 = arith.constant 0 : i32
    %dma_wait3A_54 = tpu.memref_slice %arg15[%dma_wait3A, %dma_wait3A_52, %dma_wait3A_53] : memref<4x128x64xf32, #tpu.memory_space<vmem>> -> memref<1x128x64xf32, #tpu.memory_space<vmem>>
    %dma_wait3A_55 = tpu.memref_squeeze %dma_wait3A_54 : memref<1x128x64xf32, #tpu.memory_space<vmem>> -> memref<128x64xf32, #tpu.memory_space<vmem>>
    %dma_wait3A_56 = arith.constant 0 : i32
    %dma_wait3A_57 = tpu.memref_slice %arg11[%dma_wait3A_56] : memref<2560xi32, #tpu.memory_space<vmem>> -> memref<128xi32, #tpu.memory_space<vmem>>
    %dma_wait3A_58 = arith.constant 0 : i32
    %dma_wait3A_59 = arith.constant 0 : i32
    %dma_wait3A_60 = tpu.memref_slice %arg2[%dma_wait3A_58, %dma_wait3A_59] : memref<1000000x64xf32, #tpu.memory_space<hbm>> -> memref<1000000x64xf32, #tpu.memory_space<hbm>>
    tpu.wait_indirect_dma semaphore(%arg18 : memref<!tpu.dma_semaphore, #tpu.memory_space<semaphore_mem>>) src(%dma_wait3A_60 : memref<1000000x64xf32, #tpu.memory_space<hbm>>) dst(%dma_wait3A_55 : memref<128x64xf32, #tpu.memory_space<vmem>>)
    %dma_start3A_61 = arith.constant 0 : i32
    %dma_start3A_62 = arith.constant 16 : i32
    %dma_start3A_63 = arith.constant 0 : i32
    %dma_start3A_64 = arith.constant 0 : i32
    %dma_start3A_65 = tpu.memref_slice %arg15[%dma_start3A_61, %dma_start3A_63, %dma_start3A_64] : memref<4x128x64xf32, #tpu.memory_space<vmem>> -> memref<1x128x64xf32, #tpu.memory_space<vmem>>
    %dma_start3A_66 = tpu.memref_squeeze %dma_start3A_65 : memref<1x128x64xf32, #tpu.memory_space<vmem>> -> memref<128x64xf32, #tpu.memory_space<vmem>>
    %dma_start3A_67 = arith.constant 0 : i32
    %dma_start3A_68 = tpu.memref_slice %arg13[%dma_start3A_62, %dma_start3A_67] : memref<20x128xi32, #tpu.memory_space<vmem>> -> memref<1x128xi32, #tpu.memory_space<vmem>>
    %dma_start3A_69 = tpu.memref_squeeze %dma_start3A_68 : memref<1x128xi32, #tpu.memory_space<vmem>> -> memref<128xi32, #tpu.memory_space<vmem>>
    %dma_start3A_70 = arith.constant 0 : i32
    %dma_start3A_71 = arith.constant 0 : i32
    %dma_start3A_72 = tpu.memref_slice %arg16[%dma_start3A_70, %dma_start3A_71] : memref<2048x64xf32, #tpu.memory_space<vmem_shared>> -> memref<2048x64xf32, #tpu.memory_space<vmem_shared>>
    tpu.enqueue_indirect_dma source(%dma_start3A_66 : memref<128x64xf32, #tpu.memory_space<vmem>>) target(%dma_start3A_72 : memref<2048x64xf32, #tpu.memory_space<vmem_shared>>) offsets(%dma_start3A_69 : memref<128xi32, #tpu.memory_space<vmem>>) semaphore(%arg22 : memref<!tpu.dma_semaphore, #tpu.memory_space<semaphore_mem>>) {add = true}
    %dma_wait3A_73 = arith.constant 1 : i32
    %dma_wait3A_74 = arith.constant 0 : i32
    %dma_wait3A_75 = arith.constant 0 : i32
    %dma_wait3A_76 = tpu.memref_slice %arg15[%dma_wait3A_73, %dma_wait3A_74, %dma_wait3A_75] : memref<4x128x64xf32, #tpu.memory_space<vmem>> -> memref<1x128x64xf32, #tpu.memory_space<vmem>>
    %dma_wait3A_77 = tpu.memref_squeeze %dma_wait3A_76 : memref<1x128x64xf32, #tpu.memory_space<vmem>> -> memref<128x64xf32, #tpu.memory_space<vmem>>
    %dma_wait3A_78 = arith.constant 0 : i32
    %dma_wait3A_79 = tpu.memref_slice %arg11[%dma_wait3A_78] : memref<2560xi32, #tpu.memory_space<vmem>> -> memref<128xi32, #tpu.memory_space<vmem>>
    %dma_wait3A_80 = arith.constant 0 : i32
    %dma_wait3A_81 = arith.constant 0 : i32
    %dma_wait3A_82 = tpu.memref_slice %arg2[%dma_wait3A_80, %dma_wait3A_81] : memref<1000000x64xf32, #tpu.memory_space<hbm>> -> memref<1000000x64xf32, #tpu.memory_space<hbm>>
    tpu.wait_indirect_dma semaphore(%arg19 : memref<!tpu.dma_semaphore, #tpu.memory_space<semaphore_mem>>) src(%dma_wait3A_82 : memref<1000000x64xf32, #tpu.memory_space<hbm>>) dst(%dma_wait3A_77 : memref<128x64xf32, #tpu.memory_space<vmem>>)
    %dma_start3A_83 = arith.constant 1 : i32
    %dma_start3A_84 = arith.constant 17 : i32
    %dma_start3A_85 = arith.constant 0 : i32
    %dma_start3A_86 = arith.constant 0 : i32
    %dma_start3A_87 = tpu.memref_slice %arg15[%dma_start3A_83, %dma_start3A_85, %dma_start3A_86] : memref<4x128x64xf32, #tpu.memory_space<vmem>> -> memref<1x128x64xf32, #tpu.memory_space<vmem>>
    %dma_start3A_88 = tpu.memref_squeeze %dma_start3A_87 : memref<1x128x64xf32, #tpu.memory_space<vmem>> -> memref<128x64xf32, #tpu.memory_space<vmem>>
    %dma_start3A_89 = arith.constant 0 : i32
    %dma_start3A_90 = tpu.memref_slice %arg13[%dma_start3A_84, %dma_start3A_89] : memref<20x128xi32, #tpu.memory_space<vmem>> -> memref<1x128xi32, #tpu.memory_space<vmem>>
    %dma_start3A_91 = tpu.memref_squeeze %dma_start3A_90 : memref<1x128xi32, #tpu.memory_space<vmem>> -> memref<128xi32, #tpu.memory_space<vmem>>
    %dma_start3A_92 = arith.constant 0 : i32
    %dma_start3A_93 = arith.constant 0 : i32
    %dma_start3A_94 = tpu.memref_slice %arg16[%dma_start3A_92, %dma_start3A_93] : memref<2048x64xf32, #tpu.memory_space<vmem_shared>> -> memref<2048x64xf32, #tpu.memory_space<vmem_shared>>
    tpu.enqueue_indirect_dma source(%dma_start3A_88 : memref<128x64xf32, #tpu.memory_space<vmem>>) target(%dma_start3A_94 : memref<2048x64xf32, #tpu.memory_space<vmem_shared>>) offsets(%dma_start3A_91 : memref<128xi32, #tpu.memory_space<vmem>>) semaphore(%arg23 : memref<!tpu.dma_semaphore, #tpu.memory_space<semaphore_mem>>) {add = true}
    %dma_wait3A_95 = arith.constant 2 : i32
    %dma_wait3A_96 = arith.constant 0 : i32
    %dma_wait3A_97 = arith.constant 0 : i32
    %dma_wait3A_98 = tpu.memref_slice %arg15[%dma_wait3A_95, %dma_wait3A_96, %dma_wait3A_97] : memref<4x128x64xf32, #tpu.memory_space<vmem>> -> memref<1x128x64xf32, #tpu.memory_space<vmem>>
    %dma_wait3A_99 = tpu.memref_squeeze %dma_wait3A_98 : memref<1x128x64xf32, #tpu.memory_space<vmem>> -> memref<128x64xf32, #tpu.memory_space<vmem>>
    %dma_wait3A_100 = arith.constant 0 : i32
    %dma_wait3A_101 = tpu.memref_slice %arg11[%dma_wait3A_100] : memref<2560xi32, #tpu.memory_space<vmem>> -> memref<128xi32, #tpu.memory_space<vmem>>
    %dma_wait3A_102 = arith.constant 0 : i32
    %dma_wait3A_103 = arith.constant 0 : i32
    %dma_wait3A_104 = tpu.memref_slice %arg2[%dma_wait3A_102, %dma_wait3A_103] : memref<1000000x64xf32, #tpu.memory_space<hbm>> -> memref<1000000x64xf32, #tpu.memory_space<hbm>>
    tpu.wait_indirect_dma semaphore(%arg20 : memref<!tpu.dma_semaphore, #tpu.memory_space<semaphore_mem>>) src(%dma_wait3A_104 : memref<1000000x64xf32, #tpu.memory_space<hbm>>) dst(%dma_wait3A_99 : memref<128x64xf32, #tpu.memory_space<vmem>>)
    %dma_start3A_105 = arith.constant 2 : i32
    %dma_start3A_106 = arith.constant 18 : i32
    %dma_start3A_107 = arith.constant 0 : i32
    %dma_start3A_108 = arith.constant 0 : i32
    %dma_start3A_109 = tpu.memref_slice %arg15[%dma_start3A_105, %dma_start3A_107, %dma_start3A_108] : memref<4x128x64xf32, #tpu.memory_space<vmem>> -> memref<1x128x64xf32, #tpu.memory_space<vmem>>
    %dma_start3A_110 = tpu.memref_squeeze %dma_start3A_109 : memref<1x128x64xf32, #tpu.memory_space<vmem>> -> memref<128x64xf32, #tpu.memory_space<vmem>>
    %dma_start3A_111 = arith.constant 0 : i32
    %dma_start3A_112 = tpu.memref_slice %arg13[%dma_start3A_106, %dma_start3A_111] : memref<20x128xi32, #tpu.memory_space<vmem>> -> memref<1x128xi32, #tpu.memory_space<vmem>>
    %dma_start3A_113 = tpu.memref_squeeze %dma_start3A_112 : memref<1x128xi32, #tpu.memory_space<vmem>> -> memref<128xi32, #tpu.memory_space<vmem>>
    %dma_start3A_114 = arith.constant 0 : i32
    %dma_start3A_115 = arith.constant 0 : i32
    %dma_start3A_116 = tpu.memref_slice %arg16[%dma_start3A_114, %dma_start3A_115] : memref<2048x64xf32, #tpu.memory_space<vmem_shared>> -> memref<2048x64xf32, #tpu.memory_space<vmem_shared>>
    tpu.enqueue_indirect_dma source(%dma_start3A_110 : memref<128x64xf32, #tpu.memory_space<vmem>>) target(%dma_start3A_116 : memref<2048x64xf32, #tpu.memory_space<vmem_shared>>) offsets(%dma_start3A_113 : memref<128xi32, #tpu.memory_space<vmem>>) semaphore(%arg24 : memref<!tpu.dma_semaphore, #tpu.memory_space<semaphore_mem>>) {add = true}
    %dma_wait3A_117 = arith.constant 3 : i32
    %dma_wait3A_118 = arith.constant 0 : i32
    %dma_wait3A_119 = arith.constant 0 : i32
    %dma_wait3A_120 = tpu.memref_slice %arg15[%dma_wait3A_117, %dma_wait3A_118, %dma_wait3A_119] : memref<4x128x64xf32, #tpu.memory_space<vmem>> -> memref<1x128x64xf32, #tpu.memory_space<vmem>>
    %dma_wait3A_121 = tpu.memref_squeeze %dma_wait3A_120 : memref<1x128x64xf32, #tpu.memory_space<vmem>> -> memref<128x64xf32, #tpu.memory_space<vmem>>
    %dma_wait3A_122 = arith.constant 0 : i32
    %dma_wait3A_123 = tpu.memref_slice %arg11[%dma_wait3A_122] : memref<2560xi32, #tpu.memory_space<vmem>> -> memref<128xi32, #tpu.memory_space<vmem>>
    %dma_wait3A_124 = arith.constant 0 : i32
    %dma_wait3A_125 = arith.constant 0 : i32
    %dma_wait3A_126 = tpu.memref_slice %arg2[%dma_wait3A_124, %dma_wait3A_125] : memref<1000000x64xf32, #tpu.memory_space<hbm>> -> memref<1000000x64xf32, #tpu.memory_space<hbm>>
    tpu.wait_indirect_dma semaphore(%arg21 : memref<!tpu.dma_semaphore, #tpu.memory_space<semaphore_mem>>) src(%dma_wait3A_126 : memref<1000000x64xf32, #tpu.memory_space<hbm>>) dst(%dma_wait3A_121 : memref<128x64xf32, #tpu.memory_space<vmem>>)
    %dma_start3A_127 = arith.constant 3 : i32
    %dma_start3A_128 = arith.constant 19 : i32
    %dma_start3A_129 = arith.constant 0 : i32
    %dma_start3A_130 = arith.constant 0 : i32
    %dma_start3A_131 = tpu.memref_slice %arg15[%dma_start3A_127, %dma_start3A_129, %dma_start3A_130] : memref<4x128x64xf32, #tpu.memory_space<vmem>> -> memref<1x128x64xf32, #tpu.memory_space<vmem>>
    %dma_start3A_132 = tpu.memref_squeeze %dma_start3A_131 : memref<1x128x64xf32, #tpu.memory_space<vmem>> -> memref<128x64xf32, #tpu.memory_space<vmem>>
    %dma_start3A_133 = arith.constant 0 : i32
    %dma_start3A_134 = tpu.memref_slice %arg13[%dma_start3A_128, %dma_start3A_133] : memref<20x128xi32, #tpu.memory_space<vmem>> -> memref<1x128xi32, #tpu.memory_space<vmem>>
    %dma_start3A_135 = tpu.memref_squeeze %dma_start3A_134 : memref<1x128xi32, #tpu.memory_space<vmem>> -> memref<128xi32, #tpu.memory_space<vmem>>
    %dma_start3A_136 = arith.constant 0 : i32
    %dma_start3A_137 = arith.constant 0 : i32
    %dma_start3A_138 = tpu.memref_slice %arg16[%dma_start3A_136, %dma_start3A_137] : memref<2048x64xf32, #tpu.memory_space<vmem_shared>> -> memref<2048x64xf32, #tpu.memory_space<vmem_shared>>
    tpu.enqueue_indirect_dma source(%dma_start3A_132 : memref<128x64xf32, #tpu.memory_space<vmem>>) target(%dma_start3A_138 : memref<2048x64xf32, #tpu.memory_space<vmem_shared>>) offsets(%dma_start3A_135 : memref<128xi32, #tpu.memory_space<vmem>>) semaphore(%arg25 : memref<!tpu.dma_semaphore, #tpu.memory_space<semaphore_mem>>) {add = true}
    %dma_wait3A_139 = arith.constant 0 : i32
    %dma_wait3A_140 = arith.constant 0 : i32
    %dma_wait3A_141 = arith.constant 0 : i32
    %dma_wait3A_142 = arith.constant 0 : i32
    %dma_wait3A_143 = tpu.memref_slice %arg15[%dma_wait3A_139, %dma_wait3A_141, %dma_wait3A_142] : memref<4x128x64xf32, #tpu.memory_space<vmem>> -> memref<1x128x64xf32, #tpu.memory_space<vmem>>
    %dma_wait3A_144 = tpu.memref_squeeze %dma_wait3A_143 : memref<1x128x64xf32, #tpu.memory_space<vmem>> -> memref<128x64xf32, #tpu.memory_space<vmem>>
    %dma_wait3A_145 = arith.constant 0 : i32
    %dma_wait3A_146 = tpu.memref_slice %arg13[%dma_wait3A_140, %dma_wait3A_145] : memref<20x128xi32, #tpu.memory_space<vmem>> -> memref<1x128xi32, #tpu.memory_space<vmem>>
    %dma_wait3A_147 = tpu.memref_squeeze %dma_wait3A_146 : memref<1x128xi32, #tpu.memory_space<vmem>> -> memref<128xi32, #tpu.memory_space<vmem>>
    %dma_wait3A_148 = arith.constant 0 : i32
    %dma_wait3A_149 = arith.constant 0 : i32
    %dma_wait3A_150 = tpu.memref_slice %arg16[%dma_wait3A_148, %dma_wait3A_149] : memref<2048x64xf32, #tpu.memory_space<vmem_shared>> -> memref<2048x64xf32, #tpu.memory_space<vmem_shared>>
    tpu.wait_indirect_dma semaphore(%arg22 : memref<!tpu.dma_semaphore, #tpu.memory_space<semaphore_mem>>) src(%dma_wait3A_144 : memref<128x64xf32, #tpu.memory_space<vmem>>) dst(%dma_wait3A_150 : memref<2048x64xf32, #tpu.memory_space<vmem_shared>>)
    %dma_wait3A_151 = arith.constant 1 : i32
    %dma_wait3A_152 = arith.constant 0 : i32
    %dma_wait3A_153 = arith.constant 0 : i32
    %dma_wait3A_154 = arith.constant 0 : i32
    %dma_wait3A_155 = tpu.memref_slice %arg15[%dma_wait3A_151, %dma_wait3A_153, %dma_wait3A_154] : memref<4x128x64xf32, #tpu.memory_space<vmem>> -> memref<1x128x64xf32, #tpu.memory_space<vmem>>
    %dma_wait3A_156 = tpu.memref_squeeze %dma_wait3A_155 : memref<1x128x64xf32, #tpu.memory_space<vmem>> -> memref<128x64xf32, #tpu.memory_space<vmem>>
    %dma_wait3A_157 = arith.constant 0 : i32
    %dma_wait3A_158 = tpu.memref_slice %arg13[%dma_wait3A_152, %dma_wait3A_157] : memref<20x128xi32, #tpu.memory_space<vmem>> -> memref<1x128xi32, #tpu.memory_space<vmem>>
    %dma_wait3A_159 = tpu.memref_squeeze %dma_wait3A_158 : memref<1x128xi32, #tpu.memory_space<vmem>> -> memref<128xi32, #tpu.memory_space<vmem>>
    %dma_wait3A_160 = arith.constant 0 : i32
    %dma_wait3A_161 = arith.constant 0 : i32
    %dma_wait3A_162 = tpu.memref_slice %arg16[%dma_wait3A_160, %dma_wait3A_161] : memref<2048x64xf32, #tpu.memory_space<vmem_shared>> -> memref<2048x64xf32, #tpu.memory_space<vmem_shared>>
    tpu.wait_indirect_dma semaphore(%arg23 : memref<!tpu.dma_semaphore, #tpu.memory_space<semaphore_mem>>) src(%dma_wait3A_156 : memref<128x64xf32, #tpu.memory_space<vmem>>) dst(%dma_wait3A_162 : memref<2048x64xf32, #tpu.memory_space<vmem_shared>>)
    %dma_wait3A_163 = arith.constant 2 : i32
    %dma_wait3A_164 = arith.constant 0 : i32
    %dma_wait3A_165 = arith.constant 0 : i32
    %dma_wait3A_166 = arith.constant 0 : i32
    %dma_wait3A_167 = tpu.memref_slice %arg15[%dma_wait3A_163, %dma_wait3A_165, %dma_wait3A_166] : memref<4x128x64xf32, #tpu.memory_space<vmem>> -> memref<1x128x64xf32, #tpu.memory_space<vmem>>
    %dma_wait3A_168 = tpu.memref_squeeze %dma_wait3A_167 : memref<1x128x64xf32, #tpu.memory_space<vmem>> -> memref<128x64xf32, #tpu.memory_space<vmem>>
    %dma_wait3A_169 = arith.constant 0 : i32
    %dma_wait3A_170 = tpu.memref_slice %arg13[%dma_wait3A_164, %dma_wait3A_169] : memref<20x128xi32, #tpu.memory_space<vmem>> -> memref<1x128xi32, #tpu.memory_space<vmem>>
    %dma_wait3A_171 = tpu.memref_squeeze %dma_wait3A_170 : memref<1x128xi32, #tpu.memory_space<vmem>> -> memref<128xi32, #tpu.memory_space<vmem>>
    %dma_wait3A_172 = arith.constant 0 : i32
    %dma_wait3A_173 = arith.constant 0 : i32
    %dma_wait3A_174 = tpu.memref_slice %arg16[%dma_wait3A_172, %dma_wait3A_173] : memref<2048x64xf32, #tpu.memory_space<vmem_shared>> -> memref<2048x64xf32, #tpu.memory_space<vmem_shared>>
    tpu.wait_indirect_dma semaphore(%arg24 : memref<!tpu.dma_semaphore, #tpu.memory_space<semaphore_mem>>) src(%dma_wait3A_168 : memref<128x64xf32, #tpu.memory_space<vmem>>) dst(%dma_wait3A_174 : memref<2048x64xf32, #tpu.memory_space<vmem_shared>>)
    %dma_wait3A_175 = arith.constant 3 : i32
    %dma_wait3A_176 = arith.constant 0 : i32
    %dma_wait3A_177 = arith.constant 0 : i32
    %dma_wait3A_178 = arith.constant 0 : i32
    %dma_wait3A_179 = tpu.memref_slice %arg15[%dma_wait3A_175, %dma_wait3A_177, %dma_wait3A_178] : memref<4x128x64xf32, #tpu.memory_space<vmem>> -> memref<1x128x64xf32, #tpu.memory_space<vmem>>
    %dma_wait3A_180 = tpu.memref_squeeze %dma_wait3A_179 : memref<1x128x64xf32, #tpu.memory_space<vmem>> -> memref<128x64xf32, #tpu.memory_space<vmem>>
    %dma_wait3A_181 = arith.constant 0 : i32
    %dma_wait3A_182 = tpu.memref_slice %arg13[%dma_wait3A_176, %dma_wait3A_181] : memref<20x128xi32, #tpu.memory_space<vmem>> -> memref<1x128xi32, #tpu.memory_space<vmem>>
    %dma_wait3A_183 = tpu.memref_squeeze %dma_wait3A_182 : memref<1x128xi32, #tpu.memory_space<vmem>> -> memref<128xi32, #tpu.memory_space<vmem>>
    %dma_wait3A_184 = arith.constant 0 : i32
    %dma_wait3A_185 = arith.constant 0 : i32
    %dma_wait3A_186 = tpu.memref_slice %arg16[%dma_wait3A_184, %dma_wait3A_185] : memref<2048x64xf32, #tpu.memory_space<vmem_shared>> -> memref<2048x64xf32, #tpu.memory_space<vmem_shared>>
    tpu.wait_indirect_dma semaphore(%arg25 : memref<!tpu.dma_semaphore, #tpu.memory_space<semaphore_mem>>) src(%dma_wait3A_180 : memref<128x64xf32, #tpu.memory_space<vmem>>) dst(%dma_wait3A_186 : memref<2048x64xf32, #tpu.memory_space<vmem_shared>>)
    %dma_start3A_187 = arith.constant 0 : i32
    %dma_start3A_188 = arith.constant 0 : i32
    %dma_start3A_189 = arith.constant 0 : i32
    %dma_start3A_190 = tpu.memref_slice %arg15[%dma_start3A_187, %dma_start3A_188, %dma_start3A_189] : memref<4x128x64xf32, #tpu.memory_space<vmem>> -> memref<1x128x64xf32, #tpu.memory_space<vmem>>
    %dma_start3A_191 = tpu.memref_squeeze %dma_start3A_190 : memref<1x128x64xf32, #tpu.memory_space<vmem>> -> memref<128x64xf32, #tpu.memory_space<vmem>>
    %dma_start3A_192 = arith.constant 0 : i32
    %dma_start3A_193 = tpu.memref_slice %arg12[%dma_start3A_192] : memref<25600xi32, #tpu.memory_space<vmem>> -> memref<128xi32, #tpu.memory_space<vmem>>
    %dma_start3A_194 = arith.constant 0 : i32
    %dma_start3A_195 = arith.constant 0 : i32
    %dma_start3A_196 = tpu.memref_slice %arg3[%dma_start3A_194, %dma_start3A_195] : memref<1000000x64xf32, #tpu.memory_space<hbm>> -> memref<1000000x64xf32, #tpu.memory_space<hbm>>
    tpu.enqueue_indirect_dma source(%dma_start3A_196 : memref<1000000x64xf32, #tpu.memory_space<hbm>>) target(%dma_start3A_191 : memref<128x64xf32, #tpu.memory_space<vmem>>) offsets(%dma_start3A_193 : memref<128xi32, #tpu.memory_space<vmem>>) semaphore(%arg18 : memref<!tpu.dma_semaphore, #tpu.memory_space<semaphore_mem>>)
    %dma_start3A_197 = arith.constant 1 : i32
    %dma_start3A_198 = arith.constant 0 : i32
    %dma_start3A_199 = arith.constant 0 : i32
    %dma_start3A_200 = tpu.memref_slice %arg15[%dma_start3A_197, %dma_start3A_198, %dma_start3A_199] : memref<4x128x64xf32, #tpu.memory_space<vmem>> -> memref<1x128x64xf32, #tpu.memory_space<vmem>>
    %dma_start3A_201 = tpu.memref_squeeze %dma_start3A_200 : memref<1x128x64xf32, #tpu.memory_space<vmem>> -> memref<128x64xf32, #tpu.memory_space<vmem>>
    %dma_start3A_202 = arith.constant 128 : i32
    %dma_start3A_203 = tpu.memref_slice %arg12[%dma_start3A_202] : memref<25600xi32, #tpu.memory_space<vmem>> -> memref<128xi32, #tpu.memory_space<vmem>>
    %dma_start3A_204 = arith.constant 0 : i32
    %dma_start3A_205 = arith.constant 0 : i32
    %dma_start3A_206 = tpu.memref_slice %arg3[%dma_start3A_204, %dma_start3A_205] : memref<1000000x64xf32, #tpu.memory_space<hbm>> -> memref<1000000x64xf32, #tpu.memory_space<hbm>>
    tpu.enqueue_indirect_dma source(%dma_start3A_206 : memref<1000000x64xf32, #tpu.memory_space<hbm>>) target(%dma_start3A_201 : memref<128x64xf32, #tpu.memory_space<vmem>>) offsets(%dma_start3A_203 : memref<128xi32, #tpu.memory_space<vmem>>) semaphore(%arg19 : memref<!tpu.dma_semaphore, #tpu.memory_space<semaphore_mem>>)
    %dma_start3A_207 = arith.constant 2 : i32
    %dma_start3A_208 = arith.constant 0 : i32
    %dma_start3A_209 = arith.constant 0 : i32
    %dma_start3A_210 = tpu.memref_slice %arg15[%dma_start3A_207, %dma_start3A_208, %dma_start3A_209] : memref<4x128x64xf32, #tpu.memory_space<vmem>> -> memref<1x128x64xf32, #tpu.memory_space<vmem>>
    %dma_start3A_211 = tpu.memref_squeeze %dma_start3A_210 : memref<1x128x64xf32, #tpu.memory_space<vmem>> -> memref<128x64xf32, #tpu.memory_space<vmem>>
    %dma_start3A_212 = arith.constant 256 : i32
    %dma_start3A_213 = tpu.memref_slice %arg12[%dma_start3A_212] : memref<25600xi32, #tpu.memory_space<vmem>> -> memref<128xi32, #tpu.memory_space<vmem>>
    %dma_start3A_214 = arith.constant 0 : i32
    %dma_start3A_215 = arith.constant 0 : i32
    %dma_start3A_216 = tpu.memref_slice %arg3[%dma_start3A_214, %dma_start3A_215] : memref<1000000x64xf32, #tpu.memory_space<hbm>> -> memref<1000000x64xf32, #tpu.memory_space<hbm>>
    tpu.enqueue_indirect_dma source(%dma_start3A_216 : memref<1000000x64xf32, #tpu.memory_space<hbm>>) target(%dma_start3A_211 : memref<128x64xf32, #tpu.memory_space<vmem>>) offsets(%dma_start3A_213 : memref<128xi32, #tpu.memory_space<vmem>>) semaphore(%arg20 : memref<!tpu.dma_semaphore, #tpu.memory_space<semaphore_mem>>)
    %dma_start3A_217 = arith.constant 3 : i32
    %dma_start3A_218 = arith.constant 0 : i32
    %dma_start3A_219 = arith.constant 0 : i32
    %dma_start3A_220 = tpu.memref_slice %arg15[%dma_start3A_217, %dma_start3A_218, %dma_start3A_219] : memref<4x128x64xf32, #tpu.memory_space<vmem>> -> memref<1x128x64xf32, #tpu.memory_space<vmem>>
    %dma_start3A_221 = tpu.memref_squeeze %dma_start3A_220 : memref<1x128x64xf32, #tpu.memory_space<vmem>> -> memref<128x64xf32, #tpu.memory_space<vmem>>
    %dma_start3A_222 = arith.constant 384 : i32
    %dma_start3A_223 = tpu.memref_slice %arg12[%dma_start3A_222] : memref<25600xi32, #tpu.memory_space<vmem>> -> memref<128xi32, #tpu.memory_space<vmem>>
    %dma_start3A_224 = arith.constant 0 : i32
    %dma_start3A_225 = arith.constant 0 : i32
    %dma_start3A_226 = tpu.memref_slice %arg3[%dma_start3A_224, %dma_start3A_225] : memref<1000000x64xf32, #tpu.memory_space<hbm>> -> memref<1000000x64xf32, #tpu.memory_space<hbm>>
    tpu.enqueue_indirect_dma source(%dma_start3A_226 : memref<1000000x64xf32, #tpu.memory_space<hbm>>) target(%dma_start3A_221 : memref<128x64xf32, #tpu.memory_space<vmem>>) offsets(%dma_start3A_223 : memref<128xi32, #tpu.memory_space<vmem>>) semaphore(%arg21 : memref<!tpu.dma_semaphore, #tpu.memory_space<semaphore_mem>>)
    %scan3A_227 = arith.constant 0 : i32
    %scan3A_228 = arith.constant 49 : i32
    %scan3A_229 = arith.addi %scan3A_227, %scan3A_228 : i32
    %scan3A_230 = arith.constant 1 : i32
    scf.for %scan3A_376 = %scan3A_227 to %scan3A_229 step %scan3A_230  : i32 {
      %mul3A_377 = arith.constant 1 : i32
      %mul3A_378 = arith.muli %scan3A_376, %mul3A_377 : i32
      %add3A_379 = arith.constant 0 : i32
      %add3A_380 = arith.addi %add3A_379, %mul3A_378 : i32
      %dma_wait3A_381 = arith.constant 0 : i32
      %dma_wait3A_382 = arith.constant 0 : i32
      %dma_wait3A_383 = arith.constant 0 : i32
      %dma_wait3A_384 = tpu.memref_slice %arg15[%dma_wait3A_381, %dma_wait3A_382, %dma_wait3A_383] : memref<4x128x64xf32, #tpu.memory_space<vmem>> -> memref<1x128x64xf32, #tpu.memory_space<vmem>>
      %dma_wait3A_385 = tpu.memref_squeeze %dma_wait3A_384 : memref<1x128x64xf32, #tpu.memory_space<vmem>> -> memref<128x64xf32, #tpu.memory_space<vmem>>
      %dma_wait3A_386 = arith.constant 0 : i32
      %dma_wait3A_387 = tpu.memref_slice %arg12[%dma_wait3A_386] : memref<25600xi32, #tpu.memory_space<vmem>> -> memref<128xi32, #tpu.memory_space<vmem>>
      %dma_wait3A_388 = arith.constant 0 : i32
      %dma_wait3A_389 = arith.constant 0 : i32
      %dma_wait3A_390 = tpu.memref_slice %arg3[%dma_wait3A_388, %dma_wait3A_389] : memref<1000000x64xf32, #tpu.memory_space<hbm>> -> memref<1000000x64xf32, #tpu.memory_space<hbm>>
      tpu.wait_indirect_dma semaphore(%arg18 : memref<!tpu.dma_semaphore, #tpu.memory_space<semaphore_mem>>) src(%dma_wait3A_390 : memref<1000000x64xf32, #tpu.memory_space<hbm>>) dst(%dma_wait3A_385 : memref<128x64xf32, #tpu.memory_space<vmem>>)
      %mul3A_391 = arith.constant 4 : i32
      %mul3A_392 = arith.muli %add3A_380, %mul3A_391 : i32
      %add3A_393 = arith.constant 0 : i32
      %add3A_394 = arith.addi %mul3A_392, %add3A_393 : i32
      %dma_start3A_395 = arith.constant 0 : i32
      %dma_start3A_396 = arith.constant 0 : i32
      %dma_start3A_397 = arith.constant 0 : i32
      %dma_start3A_398 = tpu.memref_slice %arg15[%dma_start3A_395, %dma_start3A_396, %dma_start3A_397] : memref<4x128x64xf32, #tpu.memory_space<vmem>> -> memref<1x128x64xf32, #tpu.memory_space<vmem>>
      %dma_start3A_399 = tpu.memref_squeeze %dma_start3A_398 : memref<1x128x64xf32, #tpu.memory_space<vmem>> -> memref<128x64xf32, #tpu.memory_space<vmem>>
      %dma_start3A_400 = arith.constant 0 : i32
      %dma_start3A_401 = tpu.memref_slice %arg14[%add3A_394, %dma_start3A_400] : memref<200x128xi32, #tpu.memory_space<vmem>> -> memref<1x128xi32, #tpu.memory_space<vmem>>
      %dma_start3A_402 = tpu.memref_squeeze %dma_start3A_401 : memref<1x128xi32, #tpu.memory_space<vmem>> -> memref<128xi32, #tpu.memory_space<vmem>>
      %dma_start3A_403 = arith.constant 0 : i32
      %dma_start3A_404 = arith.constant 0 : i32
      %dma_start3A_405 = tpu.memref_slice %arg17[%dma_start3A_403, %dma_start3A_404] : memref<2048x64xf32, #tpu.memory_space<vmem_shared>> -> memref<2048x64xf32, #tpu.memory_space<vmem_shared>>
      tpu.enqueue_indirect_dma source(%dma_start3A_399 : memref<128x64xf32, #tpu.memory_space<vmem>>) target(%dma_start3A_405 : memref<2048x64xf32, #tpu.memory_space<vmem_shared>>) offsets(%dma_start3A_402 : memref<128xi32, #tpu.memory_space<vmem>>) semaphore(%arg22 : memref<!tpu.dma_semaphore, #tpu.memory_space<semaphore_mem>>) {add = true}
      %dma_wait3A_406 = arith.constant 1 : i32
      %dma_wait3A_407 = arith.constant 0 : i32
      %dma_wait3A_408 = arith.constant 0 : i32
      %dma_wait3A_409 = tpu.memref_slice %arg15[%dma_wait3A_406, %dma_wait3A_407, %dma_wait3A_408] : memref<4x128x64xf32, #tpu.memory_space<vmem>> -> memref<1x128x64xf32, #tpu.memory_space<vmem>>
      %dma_wait3A_410 = tpu.memref_squeeze %dma_wait3A_409 : memref<1x128x64xf32, #tpu.memory_space<vmem>> -> memref<128x64xf32, #tpu.memory_space<vmem>>
      %dma_wait3A_411 = arith.constant 0 : i32
      %dma_wait3A_412 = tpu.memref_slice %arg12[%dma_wait3A_411] : memref<25600xi32, #tpu.memory_space<vmem>> -> memref<128xi32, #tpu.memory_space<vmem>>
      %dma_wait3A_413 = arith.constant 0 : i32
      %dma_wait3A_414 = arith.constant 0 : i32
      %dma_wait3A_415 = tpu.memref_slice %arg3[%dma_wait3A_413, %dma_wait3A_414] : memref<1000000x64xf32, #tpu.memory_space<hbm>> -> memref<1000000x64xf32, #tpu.memory_space<hbm>>
      tpu.wait_indirect_dma semaphore(%arg19 : memref<!tpu.dma_semaphore, #tpu.memory_space<semaphore_mem>>) src(%dma_wait3A_415 : memref<1000000x64xf32, #tpu.memory_space<hbm>>) dst(%dma_wait3A_410 : memref<128x64xf32, #tpu.memory_space<vmem>>)
      %mul3A_416 = arith.constant 4 : i32
      %mul3A_417 = arith.muli %add3A_380, %mul3A_416 : i32
      %add3A_418 = arith.constant 1 : i32
      %add3A_419 = arith.addi %mul3A_417, %add3A_418 : i32
      %dma_start3A_420 = arith.constant 1 : i32
      %dma_start3A_421 = arith.constant 0 : i32
      %dma_start3A_422 = arith.constant 0 : i32
      %dma_start3A_423 = tpu.memref_slice %arg15[%dma_start3A_420, %dma_start3A_421, %dma_start3A_422] : memref<4x128x64xf32, #tpu.memory_space<vmem>> -> memref<1x128x64xf32, #tpu.memory_space<vmem>>
      %dma_start3A_424 = tpu.memref_squeeze %dma_start3A_423 : memref<1x128x64xf32, #tpu.memory_space<vmem>> -> memref<128x64xf32, #tpu.memory_space<vmem>>
      %dma_start3A_425 = arith.constant 0 : i32
      %dma_start3A_426 = tpu.memref_slice %arg14[%add3A_419, %dma_start3A_425] : memref<200x128xi32, #tpu.memory_space<vmem>> -> memref<1x128xi32, #tpu.memory_space<vmem>>
      %dma_start3A_427 = tpu.memref_squeeze %dma_start3A_426 : memref<1x128xi32, #tpu.memory_space<vmem>> -> memref<128xi32, #tpu.memory_space<vmem>>
      %dma_start3A_428 = arith.constant 0 : i32
      %dma_start3A_429 = arith.constant 0 : i32
      %dma_start3A_430 = tpu.memref_slice %arg17[%dma_start3A_428, %dma_start3A_429] : memref<2048x64xf32, #tpu.memory_space<vmem_shared>> -> memref<2048x64xf32, #tpu.memory_space<vmem_shared>>
      tpu.enqueue_indirect_dma source(%dma_start3A_424 : memref<128x64xf32, #tpu.memory_space<vmem>>) target(%dma_start3A_430 : memref<2048x64xf32, #tpu.memory_space<vmem_shared>>) offsets(%dma_start3A_427 : memref<128xi32, #tpu.memory_space<vmem>>) semaphore(%arg23 : memref<!tpu.dma_semaphore, #tpu.memory_space<semaphore_mem>>) {add = true}
      %dma_wait3A_431 = arith.constant 2 : i32
      %dma_wait3A_432 = arith.constant 0 : i32
      %dma_wait3A_433 = arith.constant 0 : i32
      %dma_wait3A_434 = tpu.memref_slice %arg15[%dma_wait3A_431, %dma_wait3A_432, %dma_wait3A_433] : memref<4x128x64xf32, #tpu.memory_space<vmem>> -> memref<1x128x64xf32, #tpu.memory_space<vmem>>
      %dma_wait3A_435 = tpu.memref_squeeze %dma_wait3A_434 : memref<1x128x64xf32, #tpu.memory_space<vmem>> -> memref<128x64xf32, #tpu.memory_space<vmem>>
      %dma_wait3A_436 = arith.constant 0 : i32
      %dma_wait3A_437 = tpu.memref_slice %arg12[%dma_wait3A_436] : memref<25600xi32, #tpu.memory_space<vmem>> -> memref<128xi32, #tpu.memory_space<vmem>>
      %dma_wait3A_438 = arith.constant 0 : i32
      %dma_wait3A_439 = arith.constant 0 : i32
      %dma_wait3A_440 = tpu.memref_slice %arg3[%dma_wait3A_438, %dma_wait3A_439] : memref<1000000x64xf32, #tpu.memory_space<hbm>> -> memref<1000000x64xf32, #tpu.memory_space<hbm>>
      tpu.wait_indirect_dma semaphore(%arg20 : memref<!tpu.dma_semaphore, #tpu.memory_space<semaphore_mem>>) src(%dma_wait3A_440 : memref<1000000x64xf32, #tpu.memory_space<hbm>>) dst(%dma_wait3A_435 : memref<128x64xf32, #tpu.memory_space<vmem>>)
      %mul3A_441 = arith.constant 4 : i32
      %mul3A_442 = arith.muli %add3A_380, %mul3A_441 : i32
      %add3A_443 = arith.constant 2 : i32
      %add3A_444 = arith.addi %mul3A_442, %add3A_443 : i32
      %dma_start3A_445 = arith.constant 2 : i32
      %dma_start3A_446 = arith.constant 0 : i32
      %dma_start3A_447 = arith.constant 0 : i32
      %dma_start3A_448 = tpu.memref_slice %arg15[%dma_start3A_445, %dma_start3A_446, %dma_start3A_447] : memref<4x128x64xf32, #tpu.memory_space<vmem>> -> memref<1x128x64xf32, #tpu.memory_space<vmem>>
      %dma_start3A_449 = tpu.memref_squeeze %dma_start3A_448 : memref<1x128x64xf32, #tpu.memory_space<vmem>> -> memref<128x64xf32, #tpu.memory_space<vmem>>
      %dma_start3A_450 = arith.constant 0 : i32
      %dma_start3A_451 = tpu.memref_slice %arg14[%add3A_444, %dma_start3A_450] : memref<200x128xi32, #tpu.memory_space<vmem>> -> memref<1x128xi32, #tpu.memory_space<vmem>>
      %dma_start3A_452 = tpu.memref_squeeze %dma_start3A_451 : memref<1x128xi32, #tpu.memory_space<vmem>> -> memref<128xi32, #tpu.memory_space<vmem>>
      %dma_start3A_453 = arith.constant 0 : i32
      %dma_start3A_454 = arith.constant 0 : i32
      %dma_start3A_455 = tpu.memref_slice %arg17[%dma_start3A_453, %dma_start3A_454] : memref<2048x64xf32, #tpu.memory_space<vmem_shared>> -> memref<2048x64xf32, #tpu.memory_space<vmem_shared>>
      tpu.enqueue_indirect_dma source(%dma_start3A_449 : memref<128x64xf32, #tpu.memory_space<vmem>>) target(%dma_start3A_455 : memref<2048x64xf32, #tpu.memory_space<vmem_shared>>) offsets(%dma_start3A_452 : memref<128xi32, #tpu.memory_space<vmem>>) semaphore(%arg24 : memref<!tpu.dma_semaphore, #tpu.memory_space<semaphore_mem>>) {add = true}
      %dma_wait3A_456 = arith.constant 3 : i32
      %dma_wait3A_457 = arith.constant 0 : i32
      %dma_wait3A_458 = arith.constant 0 : i32
      %dma_wait3A_459 = tpu.memref_slice %arg15[%dma_wait3A_456, %dma_wait3A_457, %dma_wait3A_458] : memref<4x128x64xf32, #tpu.memory_space<vmem>> -> memref<1x128x64xf32, #tpu.memory_space<vmem>>
      %dma_wait3A_460 = tpu.memref_squeeze %dma_wait3A_459 : memref<1x128x64xf32, #tpu.memory_space<vmem>> -> memref<128x64xf32, #tpu.memory_space<vmem>>
      %dma_wait3A_461 = arith.constant 0 : i32
      %dma_wait3A_462 = tpu.memref_slice %arg12[%dma_wait3A_461] : memref<25600xi32, #tpu.memory_space<vmem>> -> memref<128xi32, #tpu.memory_space<vmem>>
      %dma_wait3A_463 = arith.constant 0 : i32
      %dma_wait3A_464 = arith.constant 0 : i32
      %dma_wait3A_465 = tpu.memref_slice %arg3[%dma_wait3A_463, %dma_wait3A_464] : memref<1000000x64xf32, #tpu.memory_space<hbm>> -> memref<1000000x64xf32, #tpu.memory_space<hbm>>
      tpu.wait_indirect_dma semaphore(%arg21 : memref<!tpu.dma_semaphore, #tpu.memory_space<semaphore_mem>>) src(%dma_wait3A_465 : memref<1000000x64xf32, #tpu.memory_space<hbm>>) dst(%dma_wait3A_460 : memref<128x64xf32, #tpu.memory_space<vmem>>)
      %mul3A_466 = arith.constant 4 : i32
      %mul3A_467 = arith.muli %add3A_380, %mul3A_466 : i32
      %add3A_468 = arith.constant 3 : i32
      %add3A_469 = arith.addi %mul3A_467, %add3A_468 : i32
      %dma_start3A_470 = arith.constant 3 : i32
      %dma_start3A_471 = arith.constant 0 : i32
      %dma_start3A_472 = arith.constant 0 : i32
      %dma_start3A_473 = tpu.memref_slice %arg15[%dma_start3A_470, %dma_start3A_471, %dma_start3A_472] : memref<4x128x64xf32, #tpu.memory_space<vmem>> -> memref<1x128x64xf32, #tpu.memory_space<vmem>>
      %dma_start3A_474 = tpu.memref_squeeze %dma_start3A_473 : memref<1x128x64xf32, #tpu.memory_space<vmem>> -> memref<128x64xf32, #tpu.memory_space<vmem>>
      %dma_start3A_475 = arith.constant 0 : i32
      %dma_start3A_476 = tpu.memref_slice %arg14[%add3A_469, %dma_start3A_475] : memref<200x128xi32, #tpu.memory_space<vmem>> -> memref<1x128xi32, #tpu.memory_space<vmem>>
      %dma_start3A_477 = tpu.memref_squeeze %dma_start3A_476 : memref<1x128xi32, #tpu.memory_space<vmem>> -> memref<128xi32, #tpu.memory_space<vmem>>
      %dma_start3A_478 = arith.constant 0 : i32
      %dma_start3A_479 = arith.constant 0 : i32
      %dma_start3A_480 = tpu.memref_slice %arg17[%dma_start3A_478, %dma_start3A_479] : memref<2048x64xf32, #tpu.memory_space<vmem_shared>> -> memref<2048x64xf32, #tpu.memory_space<vmem_shared>>
      tpu.enqueue_indirect_dma source(%dma_start3A_474 : memref<128x64xf32, #tpu.memory_space<vmem>>) target(%dma_start3A_480 : memref<2048x64xf32, #tpu.memory_space<vmem_shared>>) offsets(%dma_start3A_477 : memref<128xi32, #tpu.memory_space<vmem>>) semaphore(%arg25 : memref<!tpu.dma_semaphore, #tpu.memory_space<semaphore_mem>>) {add = true}
      %dma_wait3A_481 = arith.constant 0 : i32
      %dma_wait3A_482 = arith.constant 0 : i32
      %dma_wait3A_483 = arith.constant 0 : i32
      %dma_wait3A_484 = arith.constant 0 : i32
      %dma_wait3A_485 = tpu.memref_slice %arg15[%dma_wait3A_481, %dma_wait3A_483, %dma_wait3A_484] : memref<4x128x64xf32, #tpu.memory_space<vmem>> -> memref<1x128x64xf32, #tpu.memory_space<vmem>>
      %dma_wait3A_486 = tpu.memref_squeeze %dma_wait3A_485 : memref<1x128x64xf32, #tpu.memory_space<vmem>> -> memref<128x64xf32, #tpu.memory_space<vmem>>
      %dma_wait3A_487 = arith.constant 0 : i32
      %dma_wait3A_488 = tpu.memref_slice %arg14[%dma_wait3A_482, %dma_wait3A_487] : memref<200x128xi32, #tpu.memory_space<vmem>> -> memref<1x128xi32, #tpu.memory_space<vmem>>
      %dma_wait3A_489 = tpu.memref_squeeze %dma_wait3A_488 : memref<1x128xi32, #tpu.memory_space<vmem>> -> memref<128xi32, #tpu.memory_space<vmem>>
      %dma_wait3A_490 = arith.constant 0 : i32
      %dma_wait3A_491 = arith.constant 0 : i32
      %dma_wait3A_492 = tpu.memref_slice %arg17[%dma_wait3A_490, %dma_wait3A_491] : memref<2048x64xf32, #tpu.memory_space<vmem_shared>> -> memref<2048x64xf32, #tpu.memory_space<vmem_shared>>
      tpu.wait_indirect_dma semaphore(%arg22 : memref<!tpu.dma_semaphore, #tpu.memory_space<semaphore_mem>>) src(%dma_wait3A_486 : memref<128x64xf32, #tpu.memory_space<vmem>>) dst(%dma_wait3A_492 : memref<2048x64xf32, #tpu.memory_space<vmem_shared>>)
      %add3A_493 = arith.constant 1 : i32
      %add3A_494 = arith.addi %add3A_380, %add3A_493 : i32
      %mul3A_495 = arith.constant 4 : i32
      %mul3A_496 = arith.muli %add3A_494, %mul3A_495 : i32
      %add3A_497 = arith.constant 0 : i32
      %add3A_498 = arith.addi %mul3A_496, %add3A_497 : i32
      %mul3A_499 = arith.constant 128 : i32
      %mul3A_500 = arith.muli %add3A_498, %mul3A_499 : i32
      %dma_start3A_501 = arith.constant 0 : i32
      %dma_start3A_502 = arith.constant 0 : i32
      %dma_start3A_503 = arith.constant 0 : i32
      %dma_start3A_504 = tpu.memref_slice %arg15[%dma_start3A_501, %dma_start3A_502, %dma_start3A_503] : memref<4x128x64xf32, #tpu.memory_space<vmem>> -> memref<1x128x64xf32, #tpu.memory_space<vmem>>
      %dma_start3A_505 = tpu.memref_squeeze %dma_start3A_504 : memref<1x128x64xf32, #tpu.memory_space<vmem>> -> memref<128x64xf32, #tpu.memory_space<vmem>>
      %dma_start3A_506 = tpu.memref_slice %arg12[%mul3A_500] : memref<25600xi32, #tpu.memory_space<vmem>> -> memref<128xi32, #tpu.memory_space<vmem>>
      %dma_start3A_507 = arith.constant 0 : i32
      %dma_start3A_508 = arith.constant 0 : i32
      %dma_start3A_509 = tpu.memref_slice %arg3[%dma_start3A_507, %dma_start3A_508] : memref<1000000x64xf32, #tpu.memory_space<hbm>> -> memref<1000000x64xf32, #tpu.memory_space<hbm>>
      tpu.enqueue_indirect_dma source(%dma_start3A_509 : memref<1000000x64xf32, #tpu.memory_space<hbm>>) target(%dma_start3A_505 : memref<128x64xf32, #tpu.memory_space<vmem>>) offsets(%dma_start3A_506 : memref<128xi32, #tpu.memory_space<vmem>>) semaphore(%arg18 : memref<!tpu.dma_semaphore, #tpu.memory_space<semaphore_mem>>)
      %dma_wait3A_510 = arith.constant 1 : i32
      %dma_wait3A_511 = arith.constant 0 : i32
      %dma_wait3A_512 = arith.constant 0 : i32
      %dma_wait3A_513 = arith.constant 0 : i32
      %dma_wait3A_514 = tpu.memref_slice %arg15[%dma_wait3A_510, %dma_wait3A_512, %dma_wait3A_513] : memref<4x128x64xf32, #tpu.memory_space<vmem>> -> memref<1x128x64xf32, #tpu.memory_space<vmem>>
      %dma_wait3A_515 = tpu.memref_squeeze %dma_wait3A_514 : memref<1x128x64xf32, #tpu.memory_space<vmem>> -> memref<128x64xf32, #tpu.memory_space<vmem>>
      %dma_wait3A_516 = arith.constant 0 : i32
      %dma_wait3A_517 = tpu.memref_slice %arg14[%dma_wait3A_511, %dma_wait3A_516] : memref<200x128xi32, #tpu.memory_space<vmem>> -> memref<1x128xi32, #tpu.memory_space<vmem>>
      %dma_wait3A_518 = tpu.memref_squeeze %dma_wait3A_517 : memref<1x128xi32, #tpu.memory_space<vmem>> -> memref<128xi32, #tpu.memory_space<vmem>>
      %dma_wait3A_519 = arith.constant 0 : i32
      %dma_wait3A_520 = arith.constant 0 : i32
      %dma_wait3A_521 = tpu.memref_slice %arg17[%dma_wait3A_519, %dma_wait3A_520] : memref<2048x64xf32, #tpu.memory_space<vmem_shared>> -> memref<2048x64xf32, #tpu.memory_space<vmem_shared>>
      tpu.wait_indirect_dma semaphore(%arg23 : memref<!tpu.dma_semaphore, #tpu.memory_space<semaphore_mem>>) src(%dma_wait3A_515 : memref<128x64xf32, #tpu.memory_space<vmem>>) dst(%dma_wait3A_521 : memref<2048x64xf32, #tpu.memory_space<vmem_shared>>)
      %add3A_522 = arith.constant 1 : i32
      %add3A_523 = arith.addi %add3A_380, %add3A_522 : i32
      %mul3A_524 = arith.constant 4 : i32
      %mul3A_525 = arith.muli %add3A_523, %mul3A_524 : i32
      %add3A_526 = arith.constant 1 : i32
      %add3A_527 = arith.addi %mul3A_525, %add3A_526 : i32
      %mul3A_528 = arith.constant 128 : i32
      %mul3A_529 = arith.muli %add3A_527, %mul3A_528 : i32
      %dma_start3A_530 = arith.constant 1 : i32
      %dma_start3A_531 = arith.constant 0 : i32
      %dma_start3A_532 = arith.constant 0 : i32
      %dma_start3A_533 = tpu.memref_slice %arg15[%dma_start3A_530, %dma_start3A_531, %dma_start3A_532] : memref<4x128x64xf32, #tpu.memory_space<vmem>> -> memref<1x128x64xf32, #tpu.memory_space<vmem>>
      %dma_start3A_534 = tpu.memref_squeeze %dma_start3A_533 : memref<1x128x64xf32, #tpu.memory_space<vmem>> -> memref<128x64xf32, #tpu.memory_space<vmem>>
      %dma_start3A_535 = tpu.memref_slice %arg12[%mul3A_529] : memref<25600xi32, #tpu.memory_space<vmem>> -> memref<128xi32, #tpu.memory_space<vmem>>
      %dma_start3A_536 = arith.constant 0 : i32
      %dma_start3A_537 = arith.constant 0 : i32
      %dma_start3A_538 = tpu.memref_slice %arg3[%dma_start3A_536, %dma_start3A_537] : memref<1000000x64xf32, #tpu.memory_space<hbm>> -> memref<1000000x64xf32, #tpu.memory_space<hbm>>
      tpu.enqueue_indirect_dma source(%dma_start3A_538 : memref<1000000x64xf32, #tpu.memory_space<hbm>>) target(%dma_start3A_534 : memref<128x64xf32, #tpu.memory_space<vmem>>) offsets(%dma_start3A_535 : memref<128xi32, #tpu.memory_space<vmem>>) semaphore(%arg19 : memref<!tpu.dma_semaphore, #tpu.memory_space<semaphore_mem>>)
      %dma_wait3A_539 = arith.constant 2 : i32
      %dma_wait3A_540 = arith.constant 0 : i32
      %dma_wait3A_541 = arith.constant 0 : i32
      %dma_wait3A_542 = arith.constant 0 : i32
      %dma_wait3A_543 = tpu.memref_slice %arg15[%dma_wait3A_539, %dma_wait3A_541, %dma_wait3A_542] : memref<4x128x64xf32, #tpu.memory_space<vmem>> -> memref<1x128x64xf32, #tpu.memory_space<vmem>>
      %dma_wait3A_544 = tpu.memref_squeeze %dma_wait3A_543 : memref<1x128x64xf32, #tpu.memory_space<vmem>> -> memref<128x64xf32, #tpu.memory_space<vmem>>
      %dma_wait3A_545 = arith.constant 0 : i32
      %dma_wait3A_546 = tpu.memref_slice %arg14[%dma_wait3A_540, %dma_wait3A_545] : memref<200x128xi32, #tpu.memory_space<vmem>> -> memref<1x128xi32, #tpu.memory_space<vmem>>
      %dma_wait3A_547 = tpu.memref_squeeze %dma_wait3A_546 : memref<1x128xi32, #tpu.memory_space<vmem>> -> memref<128xi32, #tpu.memory_space<vmem>>
      %dma_wait3A_548 = arith.constant 0 : i32
      %dma_wait3A_549 = arith.constant 0 : i32
      %dma_wait3A_550 = tpu.memref_slice %arg17[%dma_wait3A_548, %dma_wait3A_549] : memref<2048x64xf32, #tpu.memory_space<vmem_shared>> -> memref<2048x64xf32, #tpu.memory_space<vmem_shared>>
      tpu.wait_indirect_dma semaphore(%arg24 : memref<!tpu.dma_semaphore, #tpu.memory_space<semaphore_mem>>) src(%dma_wait3A_544 : memref<128x64xf32, #tpu.memory_space<vmem>>) dst(%dma_wait3A_550 : memref<2048x64xf32, #tpu.memory_space<vmem_shared>>)
      %add3A_551 = arith.constant 1 : i32
      %add3A_552 = arith.addi %add3A_380, %add3A_551 : i32
      %mul3A_553 = arith.constant 4 : i32
      %mul3A_554 = arith.muli %add3A_552, %mul3A_553 : i32
      %add3A_555 = arith.constant 2 : i32
      %add3A_556 = arith.addi %mul3A_554, %add3A_555 : i32
      %mul3A_557 = arith.constant 128 : i32
      %mul3A_558 = arith.muli %add3A_556, %mul3A_557 : i32
      %dma_start3A_559 = arith.constant 2 : i32
      %dma_start3A_560 = arith.constant 0 : i32
      %dma_start3A_561 = arith.constant 0 : i32
      %dma_start3A_562 = tpu.memref_slice %arg15[%dma_start3A_559, %dma_start3A_560, %dma_start3A_561] : memref<4x128x64xf32, #tpu.memory_space<vmem>> -> memref<1x128x64xf32, #tpu.memory_space<vmem>>
      %dma_start3A_563 = tpu.memref_squeeze %dma_start3A_562 : memref<1x128x64xf32, #tpu.memory_space<vmem>> -> memref<128x64xf32, #tpu.memory_space<vmem>>
      %dma_start3A_564 = tpu.memref_slice %arg12[%mul3A_558] : memref<25600xi32, #tpu.memory_space<vmem>> -> memref<128xi32, #tpu.memory_space<vmem>>
      %dma_start3A_565 = arith.constant 0 : i32
      %dma_start3A_566 = arith.constant 0 : i32
      %dma_start3A_567 = tpu.memref_slice %arg3[%dma_start3A_565, %dma_start3A_566] : memref<1000000x64xf32, #tpu.memory_space<hbm>> -> memref<1000000x64xf32, #tpu.memory_space<hbm>>
      tpu.enqueue_indirect_dma source(%dma_start3A_567 : memref<1000000x64xf32, #tpu.memory_space<hbm>>) target(%dma_start3A_563 : memref<128x64xf32, #tpu.memory_space<vmem>>) offsets(%dma_start3A_564 : memref<128xi32, #tpu.memory_space<vmem>>) semaphore(%arg20 : memref<!tpu.dma_semaphore, #tpu.memory_space<semaphore_mem>>)
      %dma_wait3A_568 = arith.constant 3 : i32
      %dma_wait3A_569 = arith.constant 0 : i32
      %dma_wait3A_570 = arith.constant 0 : i32
      %dma_wait3A_571 = arith.constant 0 : i32
      %dma_wait3A_572 = tpu.memref_slice %arg15[%dma_wait3A_568, %dma_wait3A_570, %dma_wait3A_571] : memref<4x128x64xf32, #tpu.memory_space<vmem>> -> memref<1x128x64xf32, #tpu.memory_space<vmem>>
      %dma_wait3A_573 = tpu.memref_squeeze %dma_wait3A_572 : memref<1x128x64xf32, #tpu.memory_space<vmem>> -> memref<128x64xf32, #tpu.memory_space<vmem>>
      %dma_wait3A_574 = arith.constant 0 : i32
      %dma_wait3A_575 = tpu.memref_slice %arg14[%dma_wait3A_569, %dma_wait3A_574] : memref<200x128xi32, #tpu.memory_space<vmem>> -> memref<1x128xi32, #tpu.memory_space<vmem>>
      %dma_wait3A_576 = tpu.memref_squeeze %dma_wait3A_575 : memref<1x128xi32, #tpu.memory_space<vmem>> -> memref<128xi32, #tpu.memory_space<vmem>>
      %dma_wait3A_577 = arith.constant 0 : i32
      %dma_wait3A_578 = arith.constant 0 : i32
      %dma_wait3A_579 = tpu.memref_slice %arg17[%dma_wait3A_577, %dma_wait3A_578] : memref<2048x64xf32, #tpu.memory_space<vmem_shared>> -> memref<2048x64xf32, #tpu.memory_space<vmem_shared>>
      tpu.wait_indirect_dma semaphore(%arg25 : memref<!tpu.dma_semaphore, #tpu.memory_space<semaphore_mem>>) src(%dma_wait3A_573 : memref<128x64xf32, #tpu.memory_space<vmem>>) dst(%dma_wait3A_579 : memref<2048x64xf32, #tpu.memory_space<vmem_shared>>)
      %add3A_580 = arith.constant 1 : i32
      %add3A_581 = arith.addi %add3A_380, %add3A_580 : i32
      %mul3A_582 = arith.constant 4 : i32
      %mul3A_583 = arith.muli %add3A_581, %mul3A_582 : i32
      %add3A_584 = arith.constant 3 : i32
      %add3A_585 = arith.addi %mul3A_583, %add3A_584 : i32
      %mul3A_586 = arith.constant 128 : i32
      %mul3A_587 = arith.muli %add3A_585, %mul3A_586 : i32
      %dma_start3A_588 = arith.constant 3 : i32
      %dma_start3A_589 = arith.constant 0 : i32
      %dma_start3A_590 = arith.constant 0 : i32
      %dma_start3A_591 = tpu.memref_slice %arg15[%dma_start3A_588, %dma_start3A_589, %dma_start3A_590] : memref<4x128x64xf32, #tpu.memory_space<vmem>> -> memref<1x128x64xf32, #tpu.memory_space<vmem>>
      %dma_start3A_592 = tpu.memref_squeeze %dma_start3A_591 : memref<1x128x64xf32, #tpu.memory_space<vmem>> -> memref<128x64xf32, #tpu.memory_space<vmem>>
      %dma_start3A_593 = tpu.memref_slice %arg12[%mul3A_587] : memref<25600xi32, #tpu.memory_space<vmem>> -> memref<128xi32, #tpu.memory_space<vmem>>
      %dma_start3A_594 = arith.constant 0 : i32
      %dma_start3A_595 = arith.constant 0 : i32
      %dma_start3A_596 = tpu.memref_slice %arg3[%dma_start3A_594, %dma_start3A_595] : memref<1000000x64xf32, #tpu.memory_space<hbm>> -> memref<1000000x64xf32, #tpu.memory_space<hbm>>
      tpu.enqueue_indirect_dma source(%dma_start3A_596 : memref<1000000x64xf32, #tpu.memory_space<hbm>>) target(%dma_start3A_592 : memref<128x64xf32, #tpu.memory_space<vmem>>) offsets(%dma_start3A_593 : memref<128xi32, #tpu.memory_space<vmem>>) semaphore(%arg21 : memref<!tpu.dma_semaphore, #tpu.memory_space<semaphore_mem>>)
    }
    %scan3A_231 = arith.constant 49 : i32
    %dma_wait3A_232 = arith.constant 0 : i32
    %dma_wait3A_233 = arith.constant 0 : i32
    %dma_wait3A_234 = arith.constant 0 : i32
    %dma_wait3A_235 = tpu.memref_slice %arg15[%dma_wait3A_232, %dma_wait3A_233, %dma_wait3A_234] : memref<4x128x64xf32, #tpu.memory_space<vmem>> -> memref<1x128x64xf32, #tpu.memory_space<vmem>>
    %dma_wait3A_236 = tpu.memref_squeeze %dma_wait3A_235 : memref<1x128x64xf32, #tpu.memory_space<vmem>> -> memref<128x64xf32, #tpu.memory_space<vmem>>
    %dma_wait3A_237 = arith.constant 0 : i32
    %dma_wait3A_238 = tpu.memref_slice %arg12[%dma_wait3A_237] : memref<25600xi32, #tpu.memory_space<vmem>> -> memref<128xi32, #tpu.memory_space<vmem>>
    %dma_wait3A_239 = arith.constant 0 : i32
    %dma_wait3A_240 = arith.constant 0 : i32
    %dma_wait3A_241 = tpu.memref_slice %arg3[%dma_wait3A_239, %dma_wait3A_240] : memref<1000000x64xf32, #tpu.memory_space<hbm>> -> memref<1000000x64xf32, #tpu.memory_space<hbm>>
    tpu.wait_indirect_dma semaphore(%arg18 : memref<!tpu.dma_semaphore, #tpu.memory_space<semaphore_mem>>) src(%dma_wait3A_241 : memref<1000000x64xf32, #tpu.memory_space<hbm>>) dst(%dma_wait3A_236 : memref<128x64xf32, #tpu.memory_space<vmem>>)
    %dma_start3A_242 = arith.constant 0 : i32
    %dma_start3A_243 = arith.constant 196 : i32
    %dma_start3A_244 = arith.constant 0 : i32
    %dma_start3A_245 = arith.constant 0 : i32
    %dma_start3A_246 = tpu.memref_slice %arg15[%dma_start3A_242, %dma_start3A_244, %dma_start3A_245] : memref<4x128x64xf32, #tpu.memory_space<vmem>> -> memref<1x128x64xf32, #tpu.memory_space<vmem>>
    %dma_start3A_247 = tpu.memref_squeeze %dma_start3A_246 : memref<1x128x64xf32, #tpu.memory_space<vmem>> -> memref<128x64xf32, #tpu.memory_space<vmem>>
    %dma_start3A_248 = arith.constant 0 : i32
    %dma_start3A_249 = tpu.memref_slice %arg14[%dma_start3A_243, %dma_start3A_248] : memref<200x128xi32, #tpu.memory_space<vmem>> -> memref<1x128xi32, #tpu.memory_space<vmem>>
    %dma_start3A_250 = tpu.memref_squeeze %dma_start3A_249 : memref<1x128xi32, #tpu.memory_space<vmem>> -> memref<128xi32, #tpu.memory_space<vmem>>
    %dma_start3A_251 = arith.constant 0 : i32
    %dma_start3A_252 = arith.constant 0 : i32
    %dma_start3A_253 = tpu.memref_slice %arg17[%dma_start3A_251, %dma_start3A_252] : memref<2048x64xf32, #tpu.memory_space<vmem_shared>> -> memref<2048x64xf32, #tpu.memory_space<vmem_shared>>
    tpu.enqueue_indirect_dma source(%dma_start3A_247 : memref<128x64xf32, #tpu.memory_space<vmem>>) target(%dma_start3A_253 : memref<2048x64xf32, #tpu.memory_space<vmem_shared>>) offsets(%dma_start3A_250 : memref<128xi32, #tpu.memory_space<vmem>>) semaphore(%arg22 : memref<!tpu.dma_semaphore, #tpu.memory_space<semaphore_mem>>) {add = true}
    %dma_wait3A_254 = arith.constant 1 : i32
    %dma_wait3A_255 = arith.constant 0 : i32
    %dma_wait3A_256 = arith.constant 0 : i32
    %dma_wait3A_257 = tpu.memref_slice %arg15[%dma_wait3A_254, %dma_wait3A_255, %dma_wait3A_256] : memref<4x128x64xf32, #tpu.memory_space<vmem>> -> memref<1x128x64xf32, #tpu.memory_space<vmem>>
    %dma_wait3A_258 = tpu.memref_squeeze %dma_wait3A_257 : memref<1x128x64xf32, #tpu.memory_space<vmem>> -> memref<128x64xf32, #tpu.memory_space<vmem>>
    %dma_wait3A_259 = arith.constant 0 : i32
    %dma_wait3A_260 = tpu.memref_slice %arg12[%dma_wait3A_259] : memref<25600xi32, #tpu.memory_space<vmem>> -> memref<128xi32, #tpu.memory_space<vmem>>
    %dma_wait3A_261 = arith.constant 0 : i32
    %dma_wait3A_262 = arith.constant 0 : i32
    %dma_wait3A_263 = tpu.memref_slice %arg3[%dma_wait3A_261, %dma_wait3A_262] : memref<1000000x64xf32, #tpu.memory_space<hbm>> -> memref<1000000x64xf32, #tpu.memory_space<hbm>>
    tpu.wait_indirect_dma semaphore(%arg19 : memref<!tpu.dma_semaphore, #tpu.memory_space<semaphore_mem>>) src(%dma_wait3A_263 : memref<1000000x64xf32, #tpu.memory_space<hbm>>) dst(%dma_wait3A_258 : memref<128x64xf32, #tpu.memory_space<vmem>>)
    %dma_start3A_264 = arith.constant 1 : i32
    %dma_start3A_265 = arith.constant 197 : i32
    %dma_start3A_266 = arith.constant 0 : i32
    %dma_start3A_267 = arith.constant 0 : i32
    %dma_start3A_268 = tpu.memref_slice %arg15[%dma_start3A_264, %dma_start3A_266, %dma_start3A_267] : memref<4x128x64xf32, #tpu.memory_space<vmem>> -> memref<1x128x64xf32, #tpu.memory_space<vmem>>
    %dma_start3A_269 = tpu.memref_squeeze %dma_start3A_268 : memref<1x128x64xf32, #tpu.memory_space<vmem>> -> memref<128x64xf32, #tpu.memory_space<vmem>>
    %dma_start3A_270 = arith.constant 0 : i32
    %dma_start3A_271 = tpu.memref_slice %arg14[%dma_start3A_265, %dma_start3A_270] : memref<200x128xi32, #tpu.memory_space<vmem>> -> memref<1x128xi32, #tpu.memory_space<vmem>>
    %dma_start3A_272 = tpu.memref_squeeze %dma_start3A_271 : memref<1x128xi32, #tpu.memory_space<vmem>> -> memref<128xi32, #tpu.memory_space<vmem>>
    %dma_start3A_273 = arith.constant 0 : i32
    %dma_start3A_274 = arith.constant 0 : i32
    %dma_start3A_275 = tpu.memref_slice %arg17[%dma_start3A_273, %dma_start3A_274] : memref<2048x64xf32, #tpu.memory_space<vmem_shared>> -> memref<2048x64xf32, #tpu.memory_space<vmem_shared>>
    tpu.enqueue_indirect_dma source(%dma_start3A_269 : memref<128x64xf32, #tpu.memory_space<vmem>>) target(%dma_start3A_275 : memref<2048x64xf32, #tpu.memory_space<vmem_shared>>) offsets(%dma_start3A_272 : memref<128xi32, #tpu.memory_space<vmem>>) semaphore(%arg23 : memref<!tpu.dma_semaphore, #tpu.memory_space<semaphore_mem>>) {add = true}
    %dma_wait3A_276 = arith.constant 2 : i32
    %dma_wait3A_277 = arith.constant 0 : i32
    %dma_wait3A_278 = arith.constant 0 : i32
    %dma_wait3A_279 = tpu.memref_slice %arg15[%dma_wait3A_276, %dma_wait3A_277, %dma_wait3A_278] : memref<4x128x64xf32, #tpu.memory_space<vmem>> -> memref<1x128x64xf32, #tpu.memory_space<vmem>>
    %dma_wait3A_280 = tpu.memref_squeeze %dma_wait3A_279 : memref<1x128x64xf32, #tpu.memory_space<vmem>> -> memref<128x64xf32, #tpu.memory_space<vmem>>
    %dma_wait3A_281 = arith.constant 0 : i32
    %dma_wait3A_282 = tpu.memref_slice %arg12[%dma_wait3A_281] : memref<25600xi32, #tpu.memory_space<vmem>> -> memref<128xi32, #tpu.memory_space<vmem>>
    %dma_wait3A_283 = arith.constant 0 : i32
    %dma_wait3A_284 = arith.constant 0 : i32
    %dma_wait3A_285 = tpu.memref_slice %arg3[%dma_wait3A_283, %dma_wait3A_284] : memref<1000000x64xf32, #tpu.memory_space<hbm>> -> memref<1000000x64xf32, #tpu.memory_space<hbm>>
    tpu.wait_indirect_dma semaphore(%arg20 : memref<!tpu.dma_semaphore, #tpu.memory_space<semaphore_mem>>) src(%dma_wait3A_285 : memref<1000000x64xf32, #tpu.memory_space<hbm>>) dst(%dma_wait3A_280 : memref<128x64xf32, #tpu.memory_space<vmem>>)
    %dma_start3A_286 = arith.constant 2 : i32
    %dma_start3A_287 = arith.constant 198 : i32
    %dma_start3A_288 = arith.constant 0 : i32
    %dma_start3A_289 = arith.constant 0 : i32
    %dma_start3A_290 = tpu.memref_slice %arg15[%dma_start3A_286, %dma_start3A_288, %dma_start3A_289] : memref<4x128x64xf32, #tpu.memory_space<vmem>> -> memref<1x128x64xf32, #tpu.memory_space<vmem>>
    %dma_start3A_291 = tpu.memref_squeeze %dma_start3A_290 : memref<1x128x64xf32, #tpu.memory_space<vmem>> -> memref<128x64xf32, #tpu.memory_space<vmem>>
    %dma_start3A_292 = arith.constant 0 : i32
    %dma_start3A_293 = tpu.memref_slice %arg14[%dma_start3A_287, %dma_start3A_292] : memref<200x128xi32, #tpu.memory_space<vmem>> -> memref<1x128xi32, #tpu.memory_space<vmem>>
    %dma_start3A_294 = tpu.memref_squeeze %dma_start3A_293 : memref<1x128xi32, #tpu.memory_space<vmem>> -> memref<128xi32, #tpu.memory_space<vmem>>
    %dma_start3A_295 = arith.constant 0 : i32
    %dma_start3A_296 = arith.constant 0 : i32
    %dma_start3A_297 = tpu.memref_slice %arg17[%dma_start3A_295, %dma_start3A_296] : memref<2048x64xf32, #tpu.memory_space<vmem_shared>> -> memref<2048x64xf32, #tpu.memory_space<vmem_shared>>
    tpu.enqueue_indirect_dma source(%dma_start3A_291 : memref<128x64xf32, #tpu.memory_space<vmem>>) target(%dma_start3A_297 : memref<2048x64xf32, #tpu.memory_space<vmem_shared>>) offsets(%dma_start3A_294 : memref<128xi32, #tpu.memory_space<vmem>>) semaphore(%arg24 : memref<!tpu.dma_semaphore, #tpu.memory_space<semaphore_mem>>) {add = true}
    %dma_wait3A_298 = arith.constant 3 : i32
    %dma_wait3A_299 = arith.constant 0 : i32
    %dma_wait3A_300 = arith.constant 0 : i32
    %dma_wait3A_301 = tpu.memref_slice %arg15[%dma_wait3A_298, %dma_wait3A_299, %dma_wait3A_300] : memref<4x128x64xf32, #tpu.memory_space<vmem>> -> memref<1x128x64xf32, #tpu.memory_space<vmem>>
    %dma_wait3A_302 = tpu.memref_squeeze %dma_wait3A_301 : memref<1x128x64xf32, #tpu.memory_space<vmem>> -> memref<128x64xf32, #tpu.memory_space<vmem>>
    %dma_wait3A_303 = arith.constant 0 : i32
    %dma_wait3A_304 = tpu.memref_slice %arg12[%dma_wait3A_303] : memref<25600xi32, #tpu.memory_space<vmem>> -> memref<128xi32, #tpu.memory_space<vmem>>
    %dma_wait3A_305 = arith.constant 0 : i32
    %dma_wait3A_306 = arith.constant 0 : i32
    %dma_wait3A_307 = tpu.memref_slice %arg3[%dma_wait3A_305, %dma_wait3A_306] : memref<1000000x64xf32, #tpu.memory_space<hbm>> -> memref<1000000x64xf32, #tpu.memory_space<hbm>>
    tpu.wait_indirect_dma semaphore(%arg21 : memref<!tpu.dma_semaphore, #tpu.memory_space<semaphore_mem>>) src(%dma_wait3A_307 : memref<1000000x64xf32, #tpu.memory_space<hbm>>) dst(%dma_wait3A_302 : memref<128x64xf32, #tpu.memory_space<vmem>>)
    %dma_start3A_308 = arith.constant 3 : i32
    %dma_start3A_309 = arith.constant 199 : i32
    %dma_start3A_310 = arith.constant 0 : i32
    %dma_start3A_311 = arith.constant 0 : i32
    %dma_start3A_312 = tpu.memref_slice %arg15[%dma_start3A_308, %dma_start3A_310, %dma_start3A_311] : memref<4x128x64xf32, #tpu.memory_space<vmem>> -> memref<1x128x64xf32, #tpu.memory_space<vmem>>
    %dma_start3A_313 = tpu.memref_squeeze %dma_start3A_312 : memref<1x128x64xf32, #tpu.memory_space<vmem>> -> memref<128x64xf32, #tpu.memory_space<vmem>>
    %dma_start3A_314 = arith.constant 0 : i32
    %dma_start3A_315 = tpu.memref_slice %arg14[%dma_start3A_309, %dma_start3A_314] : memref<200x128xi32, #tpu.memory_space<vmem>> -> memref<1x128xi32, #tpu.memory_space<vmem>>
    %dma_start3A_316 = tpu.memref_squeeze %dma_start3A_315 : memref<1x128xi32, #tpu.memory_space<vmem>> -> memref<128xi32, #tpu.memory_space<vmem>>
    %dma_start3A_317 = arith.constant 0 : i32
    %dma_start3A_318 = arith.constant 0 : i32
    %dma_start3A_319 = tpu.memref_slice %arg17[%dma_start3A_317, %dma_start3A_318] : memref<2048x64xf32, #tpu.memory_space<vmem_shared>> -> memref<2048x64xf32, #tpu.memory_space<vmem_shared>>
    tpu.enqueue_indirect_dma source(%dma_start3A_313 : memref<128x64xf32, #tpu.memory_space<vmem>>) target(%dma_start3A_319 : memref<2048x64xf32, #tpu.memory_space<vmem_shared>>) offsets(%dma_start3A_316 : memref<128xi32, #tpu.memory_space<vmem>>) semaphore(%arg25 : memref<!tpu.dma_semaphore, #tpu.memory_space<semaphore_mem>>) {add = true}
    %dma_wait3A_320 = arith.constant 0 : i32
    %dma_wait3A_321 = arith.constant 0 : i32
    %dma_wait3A_322 = arith.constant 0 : i32
    %dma_wait3A_323 = arith.constant 0 : i32
    %dma_wait3A_324 = tpu.memref_slice %arg15[%dma_wait3A_320, %dma_wait3A_322, %dma_wait3A_323] : memref<4x128x64xf32, #tpu.memory_space<vmem>> -> memref<1x128x64xf32, #tpu.memory_space<vmem>>
    %dma_wait3A_325 = tpu.memref_squeeze %dma_wait3A_324 : memref<1x128x64xf32, #tpu.memory_space<vmem>> -> memref<128x64xf32, #tpu.memory_space<vmem>>
    %dma_wait3A_326 = arith.constant 0 : i32
    %dma_wait3A_327 = tpu.memref_slice %arg14[%dma_wait3A_321, %dma_wait3A_326] : memref<200x128xi32, #tpu.memory_space<vmem>> -> memref<1x128xi32, #tpu.memory_space<vmem>>
    %dma_wait3A_328 = tpu.memref_squeeze %dma_wait3A_327 : memref<1x128xi32, #tpu.memory_space<vmem>> -> memref<128xi32, #tpu.memory_space<vmem>>
    %dma_wait3A_329 = arith.constant 0 : i32
    %dma_wait3A_330 = arith.constant 0 : i32
    %dma_wait3A_331 = tpu.memref_slice %arg17[%dma_wait3A_329, %dma_wait3A_330] : memref<2048x64xf32, #tpu.memory_space<vmem_shared>> -> memref<2048x64xf32, #tpu.memory_space<vmem_shared>>
    tpu.wait_indirect_dma semaphore(%arg22 : memref<!tpu.dma_semaphore, #tpu.memory_space<semaphore_mem>>) src(%dma_wait3A_325 : memref<128x64xf32, #tpu.memory_space<vmem>>) dst(%dma_wait3A_331 : memref<2048x64xf32, #tpu.memory_space<vmem_shared>>)
    %dma_wait3A_332 = arith.constant 1 : i32
    %dma_wait3A_333 = arith.constant 0 : i32
    %dma_wait3A_334 = arith.constant 0 : i32
    %dma_wait3A_335 = arith.constant 0 : i32
    %dma_wait3A_336 = tpu.memref_slice %arg15[%dma_wait3A_332, %dma_wait3A_334, %dma_wait3A_335] : memref<4x128x64xf32, #tpu.memory_space<vmem>> -> memref<1x128x64xf32, #tpu.memory_space<vmem>>
    %dma_wait3A_337 = tpu.memref_squeeze %dma_wait3A_336 : memref<1x128x64xf32, #tpu.memory_space<vmem>> -> memref<128x64xf32, #tpu.memory_space<vmem>>
    %dma_wait3A_338 = arith.constant 0 : i32
    %dma_wait3A_339 = tpu.memref_slice %arg14[%dma_wait3A_333, %dma_wait3A_338] : memref<200x128xi32, #tpu.memory_space<vmem>> -> memref<1x128xi32, #tpu.memory_space<vmem>>
    %dma_wait3A_340 = tpu.memref_squeeze %dma_wait3A_339 : memref<1x128xi32, #tpu.memory_space<vmem>> -> memref<128xi32, #tpu.memory_space<vmem>>
    %dma_wait3A_341 = arith.constant 0 : i32
    %dma_wait3A_342 = arith.constant 0 : i32
    %dma_wait3A_343 = tpu.memref_slice %arg17[%dma_wait3A_341, %dma_wait3A_342] : memref<2048x64xf32, #tpu.memory_space<vmem_shared>> -> memref<2048x64xf32, #tpu.memory_space<vmem_shared>>
    tpu.wait_indirect_dma semaphore(%arg23 : memref<!tpu.dma_semaphore, #tpu.memory_space<semaphore_mem>>) src(%dma_wait3A_337 : memref<128x64xf32, #tpu.memory_space<vmem>>) dst(%dma_wait3A_343 : memref<2048x64xf32, #tpu.memory_space<vmem_shared>>)
    %dma_wait3A_344 = arith.constant 2 : i32
    %dma_wait3A_345 = arith.constant 0 : i32
    %dma_wait3A_346 = arith.constant 0 : i32
    %dma_wait3A_347 = arith.constant 0 : i32
    %dma_wait3A_348 = tpu.memref_slice %arg15[%dma_wait3A_344, %dma_wait3A_346, %dma_wait3A_347] : memref<4x128x64xf32, #tpu.memory_space<vmem>> -> memref<1x128x64xf32, #tpu.memory_space<vmem>>
    %dma_wait3A_349 = tpu.memref_squeeze %dma_wait3A_348 : memref<1x128x64xf32, #tpu.memory_space<vmem>> -> memref<128x64xf32, #tpu.memory_space<vmem>>
    %dma_wait3A_350 = arith.constant 0 : i32
    %dma_wait3A_351 = tpu.memref_slice %arg14[%dma_wait3A_345, %dma_wait3A_350] : memref<200x128xi32, #tpu.memory_space<vmem>> -> memref<1x128xi32, #tpu.memory_space<vmem>>
    %dma_wait3A_352 = tpu.memref_squeeze %dma_wait3A_351 : memref<1x128xi32, #tpu.memory_space<vmem>> -> memref<128xi32, #tpu.memory_space<vmem>>
    %dma_wait3A_353 = arith.constant 0 : i32
    %dma_wait3A_354 = arith.constant 0 : i32
    %dma_wait3A_355 = tpu.memref_slice %arg17[%dma_wait3A_353, %dma_wait3A_354] : memref<2048x64xf32, #tpu.memory_space<vmem_shared>> -> memref<2048x64xf32, #tpu.memory_space<vmem_shared>>
    tpu.wait_indirect_dma semaphore(%arg24 : memref<!tpu.dma_semaphore, #tpu.memory_space<semaphore_mem>>) src(%dma_wait3A_349 : memref<128x64xf32, #tpu.memory_space<vmem>>) dst(%dma_wait3A_355 : memref<2048x64xf32, #tpu.memory_space<vmem_shared>>)
    %dma_wait3A_356 = arith.constant 3 : i32
    %dma_wait3A_357 = arith.constant 0 : i32
    %dma_wait3A_358 = arith.constant 0 : i32
    %dma_wait3A_359 = arith.constant 0 : i32
    %dma_wait3A_360 = tpu.memref_slice %arg15[%dma_wait3A_356, %dma_wait3A_358, %dma_wait3A_359] : memref<4x128x64xf32, #tpu.memory_space<vmem>> -> memref<1x128x64xf32, #tpu.memory_space<vmem>>
    %dma_wait3A_361 = tpu.memref_squeeze %dma_wait3A_360 : memref<1x128x64xf32, #tpu.memory_space<vmem>> -> memref<128x64xf32, #tpu.memory_space<vmem>>
    %dma_wait3A_362 = arith.constant 0 : i32
    %dma_wait3A_363 = tpu.memref_slice %arg14[%dma_wait3A_357, %dma_wait3A_362] : memref<200x128xi32, #tpu.memory_space<vmem>> -> memref<1x128xi32, #tpu.memory_space<vmem>>
    %dma_wait3A_364 = tpu.memref_squeeze %dma_wait3A_363 : memref<1x128xi32, #tpu.memory_space<vmem>> -> memref<128xi32, #tpu.memory_space<vmem>>
    %dma_wait3A_365 = arith.constant 0 : i32
    %dma_wait3A_366 = arith.constant 0 : i32
    %dma_wait3A_367 = tpu.memref_slice %arg17[%dma_wait3A_365, %dma_wait3A_366] : memref<2048x64xf32, #tpu.memory_space<vmem_shared>> -> memref<2048x64xf32, #tpu.memory_space<vmem_shared>>
    tpu.wait_indirect_dma semaphore(%arg25 : memref<!tpu.dma_semaphore, #tpu.memory_space<semaphore_mem>>) src(%dma_wait3A_361 : memref<128x64xf32, #tpu.memory_space<vmem>>) dst(%dma_wait3A_367 : memref<2048x64xf32, #tpu.memory_space<vmem_shared>>)
    %mul3A_368 = arith.constant 128 : i32
    %mul3A_369 = arith.muli %arg1, %mul3A_368 : i32
    %mul3A_370 = arith.constant 128 : i32
    %mul3A_371 = arith.muli %add3A, %mul3A_370 : i32
    "tpu.region"() ({
      %run_scoped3A = tpu.sem_alloc : memref<!tpu.dma_semaphore, #tpu.memory_space<semaphore_mem>>
      %dma_start3A_376 = arith.constant 0 : i32
      %dma_start3A_377 = tpu.memref_slice %arg9[%mul3A_371, %dma_start3A_376] : memref<4096x64xf32, #tpu.memory_space<hbm>> -> memref<128x64xf32, #tpu.memory_space<hbm>>
      %dma_start3A_378 = arith.constant 0 : i32
      %dma_start3A_379 = tpu.memref_slice %arg16[%mul3A_369, %dma_start3A_378] : memref<2048x64xf32, #tpu.memory_space<vmem_shared>> -> memref<128x64xf32, #tpu.memory_space<vmem_shared>>
      tpu.enqueue_dma source(%dma_start3A_379 : memref<128x64xf32, #tpu.memory_space<vmem_shared>>) target(%dma_start3A_377 : memref<128x64xf32, #tpu.memory_space<hbm>>) target_semaphore(%run_scoped3A : memref<!tpu.dma_semaphore, #tpu.memory_space<semaphore_mem>>)
      %dma_wait3A_380 = arith.constant 0 : i32
      %dma_wait3A_381 = tpu.memref_slice %arg9[%mul3A_371, %dma_wait3A_380] : memref<4096x64xf32, #tpu.memory_space<hbm>> -> memref<128x64xf32, #tpu.memory_space<hbm>>
      %dma_wait3A_382 = arith.constant 0 : i32
      %dma_wait3A_383 = tpu.memref_slice %arg16[%mul3A_369, %dma_wait3A_382] : memref<2048x64xf32, #tpu.memory_space<vmem_shared>> -> memref<128x64xf32, #tpu.memory_space<vmem_shared>>
      tpu.wait_dma2 semaphore(%run_scoped3A : memref<!tpu.dma_semaphore, #tpu.memory_space<semaphore_mem>>) src(%dma_wait3A_383 : memref<128x64xf32, #tpu.memory_space<vmem_shared>>) dst(%dma_wait3A_381 : memref<128x64xf32, #tpu.memory_space<hbm>>)
      tpu.yield
    }) : () -> ()
    %mul3A_372 = arith.constant 128 : i32
    %mul3A_373 = arith.muli %arg1, %mul3A_372 : i32
    %mul3A_374 = arith.constant 128 : i32
    %mul3A_375 = arith.muli %add3A, %mul3A_374 : i32
    "tpu.region"() ({
      %run_scoped3A = tpu.sem_alloc : memref<!tpu.dma_semaphore, #tpu.memory_space<semaphore_mem>>
      %dma_start3A_376 = arith.constant 0 : i32
      %dma_start3A_377 = tpu.memref_slice %arg10[%mul3A_375, %dma_start3A_376] : memref<4096x64xf32, #tpu.memory_space<hbm>> -> memref<128x64xf32, #tpu.memory_space<hbm>>
      %dma_start3A_378 = arith.constant 0 : i32
      %dma_start3A_379 = tpu.memref_slice %arg17[%mul3A_373, %dma_start3A_378] : memref<2048x64xf32, #tpu.memory_space<vmem_shared>> -> memref<128x64xf32, #tpu.memory_space<vmem_shared>>
      tpu.enqueue_dma source(%dma_start3A_379 : memref<128x64xf32, #tpu.memory_space<vmem_shared>>) target(%dma_start3A_377 : memref<128x64xf32, #tpu.memory_space<hbm>>) target_semaphore(%run_scoped3A : memref<!tpu.dma_semaphore, #tpu.memory_space<semaphore_mem>>)
      %dma_wait3A_380 = arith.constant 0 : i32
      %dma_wait3A_381 = tpu.memref_slice %arg10[%mul3A_375, %dma_wait3A_380] : memref<4096x64xf32, #tpu.memory_space<hbm>> -> memref<128x64xf32, #tpu.memory_space<hbm>>
      %dma_wait3A_382 = arith.constant 0 : i32
      %dma_wait3A_383 = tpu.memref_slice %arg17[%mul3A_373, %dma_wait3A_382] : memref<2048x64xf32, #tpu.memory_space<vmem_shared>> -> memref<128x64xf32, #tpu.memory_space<vmem_shared>>
      tpu.wait_dma2 semaphore(%run_scoped3A : memref<!tpu.dma_semaphore, #tpu.memory_space<semaphore_mem>>) src(%dma_wait3A_383 : memref<128x64xf32, #tpu.memory_space<vmem_shared>>) dst(%dma_wait3A_381 : memref<128x64xf32, #tpu.memory_space<hbm>>)
      tpu.yield
    }) : () -> ()
    return
  }
}

module attributes {stable_mosaic.version = 14 : i64} {
  func.func @body(%arg0: memref<4096x64xf32, #tpu.memory_space<vmem>>, %arg1: memref<4096x64xf32, #tpu.memory_space<vmem>>, %arg2: memref<4096xf32, #tpu.memory_space<vmem>>) attributes {dimension_semantics = [], scalar_prefetch = 0 : i64, scratch_operands = 0 : i64, tpu.core_type = #tpu.core_type<tc>} {
    %get3A = arith.constant 0 : index
    %get3A_0 = arith.constant 0 : index
    %get3A_1 = vector.load %arg0[%get3A, %get3A_0] : memref<4096x64xf32, #tpu.memory_space<vmem>>, vector<4096x64xf32>
    %mul3A = arith.constant 5.000000e-02 : f32
    %mul3A_2 = vector.broadcast %mul3A : f32 to vector<4096x64xf32>
    %mul3A_3 = arith.mulf %get3A_1, %mul3A_2 : vector<4096x64xf32>
    %tanh3A = math.tanh %mul3A_3 : vector<4096x64xf32>
    %get3A_4 = arith.constant 0 : index
    %get3A_5 = arith.constant 0 : index
    %get3A_6 = vector.load %arg1[%get3A_4, %get3A_5] : memref<4096x64xf32, #tpu.memory_space<vmem>>, vector<4096x64xf32>
    %mul3A_7 = arith.constant 5.000000e-03 : f32
    %mul3A_8 = vector.broadcast %mul3A_7 : f32 to vector<4096x64xf32>
    %mul3A_9 = arith.mulf %get3A_6, %mul3A_8 : vector<4096x64xf32>
    %tanh3A_10 = math.tanh %mul3A_9 : vector<4096x64xf32>
    %mul3A_11 = arith.mulf %tanh3A, %tanh3A : vector<4096x64xf32>
    %reduce_sum3A = arith.constant dense<0.000000e+00> : vector<4096xf32>
    %reduce_sum3A_12 = vector.multi_reduction <add>, %mul3A_11, %reduce_sum3A [1] : vector<4096x64xf32> to vector<4096xf32>
    %broadcast_in_dim3A = vector.shape_cast %reduce_sum3A_12 : vector<4096xf32> to vector<4096x1xf32>
    %sqrt3A = math.sqrt %broadcast_in_dim3A : vector<4096x1xf32>
    %max3A = arith.constant 9.99999996E-13 : f32
    %max3A_13 = vector.broadcast %max3A : f32 to vector<4096x1xf32>
    %max3A_14 = arith.maximumf %sqrt3A, %max3A_13 : vector<4096x1xf32>
    %mul3A_15 = arith.mulf %tanh3A_10, %tanh3A_10 : vector<4096x64xf32>
    %reduce_sum3A_16 = arith.constant dense<0.000000e+00> : vector<4096xf32>
    %reduce_sum3A_17 = vector.multi_reduction <add>, %mul3A_15, %reduce_sum3A_16 [1] : vector<4096x64xf32> to vector<4096xf32>
    %broadcast_in_dim3A_18 = vector.shape_cast %reduce_sum3A_17 : vector<4096xf32> to vector<4096x1xf32>
    %sqrt3A_19 = math.sqrt %broadcast_in_dim3A_18 : vector<4096x1xf32>
    %max3A_20 = arith.constant 9.99999996E-13 : f32
    %max3A_21 = vector.broadcast %max3A_20 : f32 to vector<4096x1xf32>
    %max3A_22 = arith.maximumf %sqrt3A_19, %max3A_21 : vector<4096x1xf32>
    %div3A = vector.broadcast %max3A_14 : vector<4096x1xf32> to vector<4096x64xf32>
    %div3A_23 = arith.divf %tanh3A, %div3A : vector<4096x64xf32>
    %div3A_24 = vector.broadcast %max3A_22 : vector<4096x1xf32> to vector<4096x64xf32>
    %div3A_25 = arith.divf %tanh3A_10, %div3A_24 : vector<4096x64xf32>
    %mul3A_26 = arith.mulf %div3A_23, %div3A_25 : vector<4096x64xf32>
    %reduce_sum3A_27 = arith.constant dense<0.000000e+00> : vector<4096xf32>
    %reduce_sum3A_28 = vector.multi_reduction <add>, %mul3A_26, %reduce_sum3A_27 [1] : vector<4096x64xf32> to vector<4096xf32>
    %swap3A = arith.constant 0 : index
    %swap3A_29 = vector.load %arg2[%swap3A] : memref<4096xf32, #tpu.memory_space<vmem>>, vector<4096xf32>
    tpu.vector_store %arg2[%swap3A], %reduce_sum3A_28 {strides = array<i32>} : memref<4096xf32, #tpu.memory_space<vmem>>, vector<4096xf32>,
    return
  }
}

</mosaic_0001>

<sc_bundles>
// kernel: kernel.4.cloned.1.call-start
scs
__scs_entry_jumppad:
0x0: {  	(pc) =	sbr.rel $0x88, $3  }
0x1: {  	(tag) =	ssettag $0x0;
	lr =	simm.s32 $0x1  }
0x2: {  	[smem:$0x3F9D] =	sst lr;
	_ =	strace $0xD0000000  }
0x3: {  	_ = 	snop  }
0x4: {  	_ = 	snop  }
0x5: {  	_ = 	snop  }
0x6: {  	_ = 	snop  }
0x7: {  	_ = 	snop  }
__scs_overlays_trampoline_lowered:
0x8: {  	[smem:$0x3FAC] =	sst s0  }
0x9: {  	[smem:$0x3FAD] =	sst s1  }
0xa: {  	[smem:$0x3FAE] =	sst s2  }
0xb: {  	[smem:$0x3FAF] =	sst s3  }
0xc: {  	[smem:$0x3FB0] =	sst s4  }
0xd: {  	[smem:$0x3FB1] =	sst s5  }
0xe: {  	[smem:$0x3FB2] =	sst s6  }
0xf: {  	[smem:$0x3FB3] =	sst s7  }
0x10: {  	[smem:$0x3FB4] =	sst s8  }
0x11: {  	[smem:$0x3FB5] =	sst s9;
	s0 =	simm.s32 @!p0 $0x0  }
0x12: {  	s1 =	sld [smem:$0x3F9B];
	s0 =	simm.s32 @p0 $0x1  }
0x13: {  	[smem:$0x3FB6] =	sst s0;
	s0 =	simm.s32 @!p1 $0x0  }
0x14: {  	s2 =	sld [smem:$0x3F9A];
	s0 =	simm.s32 @p1 $0x1  }
0x15: {  	[smem:$0x3FB7] =	sst s0;
	s0 =	simm.s32 @!p2 $0x0  }
0x16: {  	s3 =	sld [smem:$0x3FDB];
	s0 =	simm.s32 @p2 $0x1  }
0x17: {  	s4 =	simm.s32 $0x1BF5;
	[smem:$0x3FB9] =	sst s0  }
0x18: {  	s0 =	sld [smem:$0x3F9C];
	_ =	swait.ge [sflag:s4], $0x0  }
0x19: {  	s7 =	sld [smem:$0x3F9D]  }
0x1a: {  	s8 =	sadd.s32 $0xFFFFE003, lr  }
0x1b: {  	s9 =	sadd.s32 $0xFFFFFEF7, lr;
	s5 =	simm.s32 $0xFFFFFFFF;
	p2 =	slt.u32 s8, $0xFFFFF086  }
0x1c: {  	p1 =	slt.u32 s9, $0xF7A;
	s5 =	simm.s32 @!p2 $0x0  }
0x1d: {  	s5 =	simm.s32 @p1 $0x1;
	p0 =	seq.s32 s7, s2  }
0x1e: {  	s7 =	smul.u32 @!p0 $0xF7A, s2;
	p2 =	seq.s32 @!p0 s5, $0x0  }
0x1f: {  	s9 =	smul.u32 $0xF7A, s1;
	s8 =	simm.s32 @!p0 $0x1BF5;
	p2 =	por !p2, p0  }
0x20: {  	[sflag:s8] =	ssyncset.s32 @!p0 $0xFFFFF086;
	s6 =	sadd.s32 @!p0 s3, s7;
	s7 =	simm.s32 @!p0 $0x108  }
0x21: {  	s3 =	sadd.s32 s3, s9;
	s6 =	sadd.s32 @!p0 $0x88, s6;
	s7 =	simm.s32 @p2 $0x1082  }
0x22: {  	[simem:s7], [sflag:s8] =	dma.local @!p0 [hbm:s6], $0xF7A  }
0x23: {  	s9 =	sor.u32 $0xD0000000, s2;
	s6 =	simm.s32 $0x108;
	_ =	swait.ge @!p0 [sflag:s8], $0x0  }
0x24: {  	s3 =	sadd.s32 $0x88, s3;
	s6 =	simm.s32 @!p1 $0x1082;
	[sflag:s4] =	ssyncset.s32 $0xFFFFF086  }
0x25: {  	[simem:s6], [sflag:s4] =	dma.local [hbm:s3], $0xF7A  }
0x26: {  	[smem:$0x3F9D] =	sst s1;
	(tag) =	ssettag s2;
	_ =	strace s9  }
0x27: {  	s1 =	sld [smem:$0x3FAD]  }
0x28: {  	s2 =	sld [smem:$0x3FAE]  }
0x29: {  	s4 =	sld [smem:$0x3FB0]  }
0x2a: {  	p0 =	seq.s32 s5, $0x0;
	s5 =	sld [smem:$0x3FB1]  }
0x2b: {  	s6 =	sld [smem:$0x3FB2]  }
0x2c: {  	s7 =	sld [smem:$0x3FB3]  }
0x2d: {  	s3 =	simm.s32 $0x108;
	s8 =	sld [smem:$0x3FB4]  }
0x2e: {  	s3 =	simm.s32 @!p0 $0x1082;
	s9 =	sld [smem:$0x3FB5]  }
0x2f: {  	lr =	sadd.s32 s0, s3;
	s0 =	sld [smem:$0x3FAC]  }
0x30: {  	s3 =	sld [smem:$0x3FAF]  }
0x31: {  	[smem:$0x3FB8] =	sst s10  }
0x32: {  	s10 =	sld [smem:$0x3FB6];
	_ =	sdelay $0x3  }
0x33: {  	p0 =	seq.s32 s10, $0x1;
	s10 =	sld [smem:$0x3FB8];
	_ =	sdelay $0x3  }
0x34: {  	[smem:$0x3FB8] =	sst s10  }
0x35: {  	s10 =	sld [smem:$0x3FB7];
	_ =	sdelay $0x3  }
0x36: {  	p1 =	seq.s32 s10, $0x1;
	s10 =	sld [smem:$0x3FB8];
	_ =	sdelay $0x3  }
0x37: {  	[smem:$0x3FB8] =	sst s10  }
0x38: {  	s10 =	sld [smem:$0x3FB9]  }
0x39: {  	_ = 	snop;
	(pc) =	sbr.ind lr, $3  }
0x3a: {  	_ = 	snop  }
0x3b: {  	_ = 	snop  }
0x3c: {  	p2 =	seq.s32 s10, $0x1;
	s10 =	sld [smem:$0x3FB8]  }
0x3d: {  	_ =	shalt  }
0x3e: {  	_ =	shalt  }
0x3f: {  	_ =	shalt  }
0x40: {  	_ =	shalt  }
0x41: {  	_ =	shalt  }
0x42: {  	_ =	shalt  }
0x43: {  	_ =	shalt  }
0x44: {  	_ =	shalt  }
0x45: {  	_ =	shalt  }
0x46: {  	_ =	shalt  }
0x47: {  	_ =	shalt  }
0x48: {  	_ =	shalt  }
0x49: {  	_ =	shalt  }
0x4a: {  	_ =	shalt  }
0x4b: {  	_ =	shalt  }
0x4c: {  	_ =	shalt  }
0x4d: {  	_ =	shalt  }
0x4e: {  	_ =	shalt  }
0x4f: {  	_ =	shalt  }
0x50: {  	_ =	shalt  }
0x51: {  	_ =	shalt  }
0x52: {  	_ =	shalt  }
0x53: {  	_ =	shalt  }
0x54: {  	_ =	shalt  }
0x55: {  	_ =	shalt  }
0x56: {  	_ =	shalt  }
0x57: {  	_ =	shalt  }
0x58: {  	_ =	shalt  }
0x59: {  	_ =	shalt  }
0x5a: {  	_ =	shalt  }
0x5b: {  	_ =	shalt  }
0x5c: {  	_ =	shalt  }
0x5d: {  	_ =	shalt  }
0x5e: {  	_ =	shalt  }
0x5f: {  	_ =	shalt  }
0x60: {  	_ =	shalt  }
0x61: {  	_ =	shalt  }
0x62: {  	_ =	shalt  }
0x63: {  	_ =	shalt  }
0x64: {  	_ =	shalt  }
0x65: {  	_ =	shalt  }
0x66: {  	_ =	shalt  }
0x67: {  	_ =	shalt  }
0x68: {  	_ =	shalt  }
0x69: {  	_ =	shalt  }
0x6a: {  	_ =	shalt  }
0x6b: {  	_ =	shalt  }
0x6c: {  	_ =	shalt  }
0x6d: {  	_ =	shalt  }
0x6e: {  	_ =	shalt  }
0x6f: {  	_ =	shalt  }
0x70: {  	_ =	shalt  }
0x71: {  	_ =	shalt  }
0x72: {  	_ =	shalt  }
0x73: {  	_ =	shalt  }
0x74: {  	_ =	shalt  }
0x75: {  	_ =	shalt  }
0x76: {  	_ =	shalt  }
0x77: {  	_ =	shalt  }
0x78: {  	_ =	shalt  }
0x79: {  	_ =	shalt  }
0x7a: {  	_ =	shalt  }
0x7b: {  	_ =	shalt  }
0x7c: {  	_ =	shalt  }
0x7d: {  	_ =	shalt  }
0x7e: {  	_ =	shalt  }
0x7f: {  	_ =	shalt  }
0x80: {  	_ =	shalt  }
0x81: {  	_ =	shalt  }
0x82: {  	_ =	shalt  }
0x83: {  	_ =	shalt  }
0x84: {  	_ =	shalt  }
0x85: {  	_ =	shalt  }
0x86: {  	_ =	shalt  }
0x87: {  	_ =	shalt  }
.Lfunc_end0:
.L_simem_size_0:
called_computation_lowered:
.L_overlay_start_0:
0x88: {  	s2 =	sld [smem:$0x3FD9]  }
0x89: {  	s3 =	sld [smem:$0x3FFE];
	_ =	sdelay $0x1  }
0x8a: {  	s1 =	srdreg.scid  }
0x8b: {  	s0 =	sand.u32 $0x1, s1  }
0x8c: {  	s16 =	sshll.u32 s0, $0xA;
	s2 =	sadd.s32 s3, s2  }
0x8d: {  	s2 =	sadd.s32 s2, s16  }
0x8e: {  	[smem:$0x3FC4] =	sst s2  }
0x8f: {  	_ = 	snop  }
0x90: {  	(tm) =	ssettm $0x1  }
0x91: {  	s17 =	sld [smem:$0x3FFB];
	_ =	sdelay $0x3  }
0x92: {  	_ =	strace s17  }
0x93: {  	s2 =	sld [smem:$0x3FFC];
	_ =	sdelay $0x3  }
0x94: {  	_ =	strace s2  }
0x95: {  	s2 =	sld [smem:$0x3FFD];
	_ =	sdelay $0x3  }
0x96: {  	_ =	strace s2  }
0x97: {  	_ =	strace $0x8FFFFFFF  }
0x98: {  	s18 =	sld [smem:$0x3FDB];
	_ =	sdelay $0x1  }
0x99: {  	s19 =	simm.s32 $_scs_section_size  }
0x9a: {  	s4 =	simm.s32 $_size__tile_overlayer_lowered;
	s5 =	simm.s32 $_tile_overlayer_lowered  }
0x9b: {  	s22 =	simm.s32 $0x1BFF;
	s21 =	sshll.u32 s5, $0x1;
	s2 =	sadd.s32 s19, s18  }
0x9c: {  	s6 =	simm.s32 $0x0;
	s20 =	sshll.u32 s4, $0x1;
	s4 =	sadd.s32 s21, s2  }
0x9d: {  	[timem:s6], [sflag:s22] =	dma.local [hbm:s4], s20  }
0x9e: {  	_ =	swait.ge [sflag:s22], s20  }
0x9f: {  	s3 =	ssub.s32 $0x0, s20;
	[sflag:s22] =	ssyncset.done $0x0  }
0xa0: {  	[sflag:s22] =	ssyncadd.s32 s3;
	_ =	sdelay $0x1  }
0xa1: {  	s23 =	simm.s32 $0x1B8B  }
0xa2: {  	_ =	swait.ge [sflag:s23], $0x1  }
0xa3: {  	[sflag:s23] =	ssyncset.done $0x0  }
0xa4: {  	s25 =	simm.s32 $0x1B8E;
	s24 =	sld [smem:$0x3FFE];
	[sflag:s23] =	ssyncadd.s32 $0xFFFFFFFF  }
0xa5: {  	s26 =	simm.s32 $execute0_lowered;
	[smem:$0x3FD2] =	sst s25  }
0xa6: {  	s4 =	sshll.u32 s26, $0x1;
	_ =	strace $0x80000046;
	[dreg:$0x1] =	wrdreg $0xFFFFFFFF  }
0xa7: {  	s28 =	simm.s32 $_size_execute0_lowered;
	s2 =	sadd.s32 s2, s4;
	[dreg:$0x0] =	wrdreg $0x0  }
0xa8: {  	s4 =	sshll.u32 s28, $0x1;
	[dreg:$0x2] =	wrdreg s2  }
0xa9: {  	[dreg:$0x3] =	wrdreg s4  }
0xaa: {  	[dreg:$0x4] =	wrdreg $0xC0  }
0xab: {  	_ =	task [dreg:s6], $0x5FFFF  }
0xac: {  	[dreg:$0x1] =	wrdreg $0xFFFFFFFF  }
0xad: {  	[dreg:$0x0] =	wrdreg $0x60  }
0xae: {  	[dreg:$0x2] =	wrdreg s24  }
0xaf: {  	[dreg:$0x3] =	wrdreg $0x15C000  }
0xb0: {  	[dreg:$0x4] =	wrdreg $0x17C000  }
0xb1: {  	[dreg:$0x5] =	wrdreg $0x9  }
0xb2: {  	_ =	task.clear_ibuf [dreg:s6], $0x6FFFF;
	_ =	strace $0x90000046  }
0xb3: {  	s29 =	simm.s32 $0x9;
	_ =	strace $0x80000048  }
0xb4: {  	_ =	swait.ge [sflag:s29], $0x1  }
0xb5: {  	[sflag:s29] =	ssyncadd.s32 $0xFFFFFFFF  }
0xb6: {  	_ =	strace $0x90000048  }
0xb7: {  	_ =	sfence  }
0xb8: {  	s30 =	sld [smem:$0x0];
	_ =	sdelay $0x2  }
0xb9: {  	s31 =	sshll.u32 s1, $0xD;
	s1 =	sshrl.u32 s1, $0x2  }
0xba: {  	s3 =	sand.u32 $0x4000, s31;
	s1 =	sadd.s32 s1, s30  }
0xbb: {  	s0 =	sor.u32 s3, s0;
	s1 =	sshll.u32 s1, $0x11  }
0xbc: {  	s0 =	sor.u32 s1, s0  }
0xbd: {  	s0 =	sadd.s32 $0x8F2B, s0  }
0xbe: {  	[sflag:s0] =	ssyncadd.remote.s32 $0x1  }
0xbf: {  	_ =	sfence.sel $0xFFFF  }
0xc0: {  	[dreg:$0x0] =	wrdreg $0xFFFFFFFF;
	(pc) =	sbr.abs _section_cstart, $3  }
0xc1: {  	[dreg:$0x1] =	wrdreg $0xFFFFFFFF  }
0xc2: {  	_ =	task.clear_ibuf [dreg:s6], $0x2FFFF;
	_ =	strace $0x9FFFFFFF  }
0xc3: {  	(tm) =	ssettm $0x7FFFFFFF  }
tec
execute0_lowered:
.L_overlay_start_1:
0x0: {  	(tag) =	ssettag $0x1  }
0x1: {  	s0 =	rddreg [dreg:$0x0];
	s1 =	srdreg.scid  }
0x2: {  	s16 =	stileid.u32;
	s2 =	rddreg [dreg:$0x1]  }
0x3: {  	s3 =	rddreg [dreg:$0x2];
	s15 =	simm.s32 $0x9;
	s17 =	simm.s32 $0x6E00  }
0x4: {  	s29 =	simm.s32 $0x13C00;
	s30 =	simm.s32 $0x1;
	s31 =	simm.s32 $0x2  }
0x5: {  	s28 =	simm.s32 $0x6;
	s18 =	simm.s32 $0x7;
	s1 =	sand.u32 $0x1, s1  }
0x6: {  	s4 =	sshll.u32 s16, $0x1;
	s10 =	smul.u32 $0x140, s16;
	s5 =	sadd.s32 $0xF43400, s0  }
0x7: {  	s11 =	smul.u32 $0xC80, s16;
	s6 =	sadd.s32 $0x16E4600, s0;
	s23 =	sshll.u32 s16, $0xD  }
0x8: {  	s26 =	sshll.u32 s16, $0x6;
	s8 =	sor.u32 s1, s4;
	s4 =	simm.s32 $0x0  }
0x9: {  	s1 =	ssub.s32 $0x2, s1;
	s25 =	sadd.s32 s23, s2;
	s19 =	sor.u32 $0x1C09, s26  }
0xa: {  	s26 =	simm.s32 $0x11C00;
	s7 =	smul.u32 $0x140, s8;
	[smem:$0x7FF] =	sst s4  }
0xb: {  	s9 =	smul.u32 $0xC80, s8;
	s10 =	sadd.s32 s10, s0;
	s11 =	sadd.s32 s11, s0  }
0xc: {  	s8 =	sshll.u32 s8, $0xA;
	s13 =	sshrl.u32 s1, $0x1;
	_ =	strace $0x80000047  }
0xd: {  	s1 =	ssub.s32 s1, s13;
	s22 =	sadd.s32 $0x1C800, s10;
	s24 =	sadd.s32 $0x1E000, s11  }
0xe: {  	s12 =	sadd.s32 s7, s0;
	s9 =	sadd.s32 s9, s0;
	[dreg:$0x6] =	wrdreg s22  }
0xf: {  	s7 =	sadd.s32 $0x1DC00, s0;
	s0 =	sadd.s32 s8, s0;
	[dreg:$0x7] =	wrdreg s24  }
0x10: {  	s8 =	sadd.s32 s23, s3;
	s14 =	smax.u32 s1, $0x1;
	s22 =	simm.s32 $0x80  }
0x11: {  	s23 =	simm.s32 $0xDC00;
	s24 =	simm.s32 $0xFC00;
	s1 =	simm.s32 $0x5  }
0x12: {  	s20 =	sadd.s32 $0x1A000, s12;
	s21 =	sadd.s32 $0x1000, s9;
	s12 =	sadd.s32 $0x32800, s0  }
0x13: {  	s13 =	sadd.s32 $0x2A800, s0;
	s0 =	simm.s32 $0x3;
	[dreg:$0x4] =	wrdreg s20  }
0x14: {  	s9 =	simm.s32 $0x0;
	[dreg:$0x5] =	wrdreg s21;
	s20 =	sshrl.u32 s25, $0x3  }
0x15: {  	s21 =	sshrl.u32 s8, $0x3;
	s25 =	simm.s32 $0x4;
	s8 =	simm.s32 $0x8  }
.LBB2_1:
0x16: {  	s10 =	rddreg [dreg:$0x4]  }
0x17: {  	[tilespmem:s4], [sflag:$0x9] =	stream.linear.gather [hbm4b:s10+s4], $0xA00, $0x38;
	[tilespmem:$0x19C00] =	vst v63  }
0x18: {  	_ =	swait.ge [sflag:s15], $0xA00  }
0x19: {  	[sflag:s15] =	ssyncset.done $0x0  }
0x1a: {  	s11 =	simm.s32 $0xA00;
	s16 =	rddreg [dreg:$0x5];
	[sflag:s15] =	ssyncadd.s32 $0xFFFFF600  }
0x1b: {  	[tilespmem:s11], [sflag:$0x9] =	stream.linear.gather [hbm4b:s16+s4], $0x6400, $0x38;
	[tilespmem:$0x19C00] =	vst v63  }
0x1c: {  	_ =	swait.ge [sflag:s15], $0x6400  }
0x1d: {  	[sflag:s15] =	ssyncset.done $0x0  }
0x1e: {  	s16 =	rddreg [dreg:$0x6];
	[sflag:s15] =	ssyncadd.s32 $0xFFFF9C00  }
0x1f: {  	[tilespmem:s17], [sflag:$0x9] =	stream.linear.gather [hbm4b:s16+s4], $0xA00, $0x38;
	[tilespmem:$0x19C00] =	vst v63  }
0x20: {  	_ =	swait.ge [sflag:s15], $0xA00  }
0x21: {  	[sflag:s15] =	ssyncset.done $0x0  }
0x22: {  	s16 =	simm.s32 $0x7800;
	s10 =	rddreg [dreg:$0x7];
	[sflag:s15] =	ssyncadd.s32 $0xFFFFF600  }
0x23: {  	[tilespmem:s16], [sflag:$0x9] =	stream.linear.gather [hbm4b:s10+s4], $0x6400, $0x38;
	[tilespmem:$0x19C00] =	vst v63  }
0x24: {  	_ =	swait.ge [sflag:s15], $0x6400  }
0x25: {  	[sflag:s15] =	ssyncset.done $0x0  }
0x26: {  	[sflag:s15] =	ssyncadd.s32 $0xFFFF9C00  }
0x27: {  	[spmem:s20], [sflag:s19] =	dma.local [hbm:s7], $0x400  }
0x28: {  	_ =	swait.ge [sflag:s15], $0x400  }
0x29: {  	[sflag:s15] =	ssyncset.done $0x0  }
0x2a: {  	[sflag:s15] =	ssyncadd.s32 $0xFFFFFC00  }
0x2b: {  	[spmem:s21], [sflag:s19] =	dma.local [hbm:s7], $0x400  }
0x2c: {  	_ =	swait.ge [sflag:s15], $0x400  }
0x2d: {  	[sflag:s15] =	ssyncset.done $0x0  }
0x2e: {  	[sflag:s15] =	ssyncadd.s32 $0xFFFFFC00  }
0x2f: {  	[tilespmem:s23], [sflag:$0x1] =	stream.indirect.gather [hbm4b:s5+s22], $0x40, s4, s22, $0xb8;
	[tilespmem:$0x19C00] =	vst v63  }
0x30: {  	_ = 	snop  }
0x31: {  	[tilespmem:s24], [sflag:$0x2] =	stream.indirect.gather [hbm4b:s5+s22], $0x40, s22, s22, $0xb8;
	[tilespmem:$0x19C00] =	vst v63  }
0x32: {  	s16 =	simm.s32 $0x100  }
0x33: {  	[tilespmem:s26], [sflag:$0x3] =	stream.indirect.gather [hbm4b:s5+s22], $0x40, s16, s22, $0xb8;
	[tilespmem:$0x19C00] =	vst v63  }
0x34: {  	s16 =	simm.s32 $0x180  }
0x35: {  	[tilespmem:s29], [sflag:$0x4] =	stream.indirect.gather [hbm4b:s5+s22], $0x40, s16, s22, $0xb8;
	[tilespmem:$0x19C00] =	vst v63  }
0x36: {  	_ =	swait.ge [sflag:s30], $0x2000  }
0x37: {  	[sflag:s30] =	ssyncset.done $0x0  }
0x38: {  	[sflag:s30] =	ssyncadd.s32 $0xFFFFE000  }
0x39: {  	[spmem:s2] =	stream.indirect.scatter.add.f32 [tilespmem:s23], [sflag:$0x5], $0x40, s17, s22, $0xb8;
	[tilespmem:$0x19C00] =	vst v63  }
0x3a: {  	_ =	swait.ge [sflag:s31], $0x2000  }
0x3b: {  	[sflag:s31] =	ssyncset.done $0x0  }
0x3c: {  	s16 =	simm.s32 $0x6E80;
	[sflag:s31] =	ssyncadd.s32 $0xFFFFE000  }
0x3d: {  	[spmem:s2] =	stream.indirect.scatter.add.f32 [tilespmem:s24], [sflag:$0x6], $0x40, s16, s22, $0xb8;
	[tilespmem:$0x19C00] =	vst v63  }
0x3e: {  	_ =	swait.ge [sflag:s0], $0x2000  }
0x3f: {  	[sflag:s0] =	ssyncset.done $0x0  }
0x40: {  	s16 =	simm.s32 $0x6F00;
	[sflag:s0] =	ssyncadd.s32 $0xFFFFE000  }
0x41: {  	[spmem:s2] =	stream.indirect.scatter.add.f32 [tilespmem:s26], [sflag:$0x7], $0x40, s16, s22, $0xb8;
	[tilespmem:$0x19C00] =	vst v63  }
0x42: {  	_ =	swait.ge [sflag:s25], $0x2000  }
0x43: {  	[sflag:s25] =	ssyncset.done $0x0  }
0x44: {  	s16 =	simm.s32 $0x6F80;
	[sflag:s25] =	ssyncadd.s32 $0xFFFFE000  }
0x45: {  	[spmem:s2] =	stream.indirect.scatter.add.f32 [tilespmem:s29], [sflag:$0x8], $0x40, s16, s22, $0xb8;
	[tilespmem:$0x19C00] =	vst v63  }
0x46: {  	_ =	swait.ge [sflag:s1], $0x2000  }
0x47: {  	[sflag:s1] =	ssyncset.done $0x0  }
0x48: {  	s16 =	simm.s32 $0x200;
	[sflag:s1] =	ssyncadd.s32 $0xFFFFE000  }
0x49: {  	[tilespmem:s23], [sflag:$0x1] =	stream.indirect.gather [hbm4b:s5+s22], $0x40, s16, s22, $0xb8;
	[tilespmem:$0x19C00] =	vst v63  }
0x4a: {  	_ =	swait.ge [sflag:s28], $0x2000  }
0x4b: {  	[sflag:s28] =	ssyncset.done $0x0  }
0x4c: {  	s16 =	simm.s32 $0x280;
	[sflag:s28] =	ssyncadd.s32 $0xFFFFE000  }
0x4d: {  	[tilespmem:s24], [sflag:$0x2] =	stream.indirect.gather [hbm4b:s5+s22], $0x40, s16, s22, $0xb8;
	[tilespmem:$0x19C00] =	vst v63  }
0x4e: {  	_ =	swait.ge [sflag:s18], $0x2000  }
0x4f: {  	[sflag:s18] =	ssyncset.done $0x0  }
0x50: {  	s16 =	simm.s32 $0x300;
	[sflag:s18] =	ssyncadd.s32 $0xFFFFE000  }
0x51: {  	[tilespmem:s26], [sflag:$0x3] =	stream.indirect.gather [hbm4b:s5+s22], $0x40, s16, s22, $0xb8;
	[tilespmem:$0x19C00] =	vst v63  }
0x52: {  	_ =	swait.ge [sflag:s8], $0x2000  }
0x53: {  	[sflag:s8] =	ssyncset.done $0x0  }
0x54: {  	s16 =	simm.s32 $0x380;
	[sflag:s8] =	ssyncadd.s32 $0xFFFFE000  }
0x55: {  	[tilespmem:s29], [sflag:$0x4] =	stream.indirect.gather [hbm4b:s5+s22], $0x40, s16, s22, $0xb8;
	[tilespmem:$0x19C00] =	vst v63  }
0x56: {  	_ =	swait.ge [sflag:s30], $0x2000  }
0x57: {  	[sflag:s30] =	ssyncset.done $0x0  }
0x58: {  	s16 =	simm.s32 $0x7000;
	[sflag:s30] =	ssyncadd.s32 $0xFFFFE000  }
0x59: {  	[spmem:s2] =	stream.indirect.scatter.add.f32 [tilespmem:s23], [sflag:$0x5], $0x40, s16, s22, $0xb8;
	[tilespmem:$0x19C00] =	vst v63  }
0x5a: {  	_ =	swait.ge [sflag:s31], $0x2000  }
0x5b: {  	[sflag:s31] =	ssyncset.done $0x0  }
0x5c: {  	s16 =	simm.s32 $0x7080;
	[sflag:s31] =	ssyncadd.s32 $0xFFFFE000  }
0x5d: {  	[spmem:s2] =	stream.indirect.scatter.add.f32 [tilespmem:s24], [sflag:$0x6], $0x40, s16, s22, $0xb8;
	[tilespmem:$0x19C00] =	vst v63  }
0x5e: {  	_ =	swait.ge [sflag:s0], $0x2000  }
0x5f: {  	[sflag:s0] =	ssyncset.done $0x0  }
0x60: {  	s16 =	simm.s32 $0x7100;
	[sflag:s0] =	ssyncadd.s32 $0xFFFFE000  }
0x61: {  	[spmem:s2] =	stream.indirect.scatter.add.f32 [tilespmem:s26], [sflag:$0x7], $0x40, s16, s22, $0xb8;
	[tilespmem:$0x19C00] =	vst v63  }
0x62: {  	_ =	swait.ge [sflag:s25], $0x2000  }
0x63: {  	[sflag:s25] =	ssyncset.done $0x0  }
0x64: {  	s16 =	simm.s32 $0x7180;
	[sflag:s25] =	ssyncadd.s32 $0xFFFFE000  }
0x65: {  	[spmem:s2] =	stream.indirect.scatter.add.f32 [tilespmem:s29], [sflag:$0x8], $0x40, s16, s22, $0xb8;
	[tilespmem:$0x19C00] =	vst v63  }
0x66: {  	_ =	swait.ge [sflag:s1], $0x2000  }
0x67: {  	[sflag:s1] =	ssyncset.done $0x0  }
0x68: {  	s16 =	simm.s32 $0x400;
	[sflag:s1] =	ssyncadd.s32 $0xFFFFE000  }
0x69: {  	[tilespmem:s23], [sflag:$0x1] =	stream.indirect.gather [hbm4b:s5+s22], $0x40, s16, s22, $0xb8;
	[tilespmem:$0x19C00] =	vst v63  }
0x6a: {  	_ =	swait.ge [sflag:s28], $0x2000  }
0x6b: {  	[sflag:s28] =	ssyncset.done $0x0  }
0x6c: {  	s16 =	simm.s32 $0x480;
	[sflag:s28] =	ssyncadd.s32 $0xFFFFE000  }
0x6d: {  	[tilespmem:s24], [sflag:$0x2] =	stream.indirect.gather [hbm4b:s5+s22], $0x40, s16, s22, $0xb8;
	[tilespmem:$0x19C00] =	vst v63  }
0x6e: {  	_ =	swait.ge [sflag:s18], $0x2000  }
0x6f: {  	[sflag:s18] =	ssyncset.done $0x0  }
0x70: {  	s16 =	simm.s32 $0x500;
	[sflag:s18] =	ssyncadd.s32 $0xFFFFE000  }
0x71: {  	[tilespmem:s26], [sflag:$0x3] =	stream.indirect.gather [hbm4b:s5+s22], $0x40, s16, s22, $0xb8;
	[tilespmem:$0x19C00] =	vst v63  }
0x72: {  	_ =	swait.ge [sflag:s8], $0x2000  }
0x73: {  	[sflag:s8] =	ssyncset.done $0x0  }
0x74: {  	s16 =	simm.s32 $0x580;
	[sflag:s8] =	ssyncadd.s32 $0xFFFFE000  }
0x75: {  	[tilespmem:s29], [sflag:$0x4] =	stream.indirect.gather [hbm4b:s5+s22], $0x40, s16, s22, $0xb8;
	[tilespmem:$0x19C00] =	vst v63  }
0x76: {  	_ =	swait.ge [sflag:s30], $0x2000  }
0x77: {  	[sflag:s30] =	ssyncset.done $0x0  }
0x78: {  	s16 =	simm.s32 $0x7200;
	[sflag:s30] =	ssyncadd.s32 $0xFFFFE000  }
0x79: {  	[spmem:s2] =	stream.indirect.scatter.add.f32 [tilespmem:s23], [sflag:$0x5], $0x40, s16, s22, $0xb8;
	[tilespmem:$0x19C00] =	vst v63  }
0x7a: {  	_ =	swait.ge [sflag:s31], $0x2000  }
0x7b: {  	[sflag:s31] =	ssyncset.done $0x0  }
0x7c: {  	s16 =	simm.s32 $0x7280;
	[sflag:s31] =	ssyncadd.s32 $0xFFFFE000  }
0x7d: {  	[spmem:s2] =	stream.indirect.scatter.add.f32 [tilespmem:s24], [sflag:$0x6], $0x40, s16, s22, $0xb8;
	[tilespmem:$0x19C00] =	vst v63  }
0x7e: {  	_ =	swait.ge [sflag:s0], $0x2000  }
0x7f: {  	[sflag:s0] =	ssyncset.done $0x0  }
0x80: {  	s16 =	simm.s32 $0x7300;
	[sflag:s0] =	ssyncadd.s32 $0xFFFFE000  }
0x81: {  	[spmem:s2] =	stream.indirect.scatter.add.f32 [tilespmem:s26], [sflag:$0x7], $0x40, s16, s22, $0xb8;
	[tilespmem:$0x19C00] =	vst v63  }
0x82: {  	_ =	swait.ge [sflag:s25], $0x2000  }
0x83: {  	[sflag:s25] =	ssyncset.done $0x0  }
0x84: {  	s16 =	simm.s32 $0x7380;
	[sflag:s25] =	ssyncadd.s32 $0xFFFFE000  }
0x85: {  	[spmem:s2] =	stream.indirect.scatter.add.f32 [tilespmem:s29], [sflag:$0x8], $0x40, s16, s22, $0xb8;
	[tilespmem:$0x19C00] =	vst v63  }
0x86: {  	_ =	swait.ge [sflag:s1], $0x2000  }
0x87: {  	[sflag:s1] =	ssyncset.done $0x0  }
0x88: {  	s16 =	simm.s32 $0x600;
	[sflag:s1] =	ssyncadd.s32 $0xFFFFE000  }
0x89: {  	[tilespmem:s23], [sflag:$0x1] =	stream.indirect.gather [hbm4b:s5+s22], $0x40, s16, s22, $0xb8;
	[tilespmem:$0x19C00] =	vst v63  }
0x8a: {  	_ =	swait.ge [sflag:s28], $0x2000  }
0x8b: {  	[sflag:s28] =	ssyncset.done $0x0  }
0x8c: {  	s16 =	simm.s32 $0x680;
	[sflag:s28] =	ssyncadd.s32 $0xFFFFE000  }
0x8d: {  	[tilespmem:s24], [sflag:$0x2] =	stream.indirect.gather [hbm4b:s5+s22], $0x40, s16, s22, $0xb8;
	[tilespmem:$0x19C00] =	vst v63  }
0x8e: {  	_ =	swait.ge [sflag:s18], $0x2000  }
0x8f: {  	[sflag:s18] =	ssyncset.done $0x0  }
0x90: {  	s16 =	simm.s32 $0x700;
	[sflag:s18] =	ssyncadd.s32 $0xFFFFE000  }
0x91: {  	[tilespmem:s26], [sflag:$0x3] =	stream.indirect.gather [hbm4b:s5+s22], $0x40, s16, s22, $0xb8;
	[tilespmem:$0x19C00] =	vst v63  }
0x92: {  	_ =	swait.ge [sflag:s8], $0x2000  }
0x93: {  	[sflag:s8] =	ssyncset.done $0x0  }
0x94: {  	s16 =	simm.s32 $0x780;
	[sflag:s8] =	ssyncadd.s32 $0xFFFFE000  }
0x95: {  	[tilespmem:s29], [sflag:$0x4] =	stream.indirect.gather [hbm4b:s5+s22], $0x40, s16, s22, $0xb8;
	[tilespmem:$0x19C00] =	vst v63  }
0x96: {  	_ =	swait.ge [sflag:s30], $0x2000  }
0x97: {  	[sflag:s30] =	ssyncset.done $0x0  }
0x98: {  	s16 =	simm.s32 $0x7400;
	[sflag:s30] =	ssyncadd.s32 $0xFFFFE000  }
0x99: {  	[spmem:s2] =	stream.indirect.scatter.add.f32 [tilespmem:s23], [sflag:$0x5], $0x40, s16, s22, $0xb8;
	[tilespmem:$0x19C00] =	vst v63  }
0x9a: {  	_ =	swait.ge [sflag:s31], $0x2000  }
0x9b: {  	[sflag:s31] =	ssyncset.done $0x0  }
0x9c: {  	s16 =	simm.s32 $0x7480;
	[sflag:s31] =	ssyncadd.s32 $0xFFFFE000  }
0x9d: {  	[spmem:s2] =	stream.indirect.scatter.add.f32 [tilespmem:s24], [sflag:$0x6], $0x40, s16, s22, $0xb8;
	[tilespmem:$0x19C00] =	vst v63  }
0x9e: {  	_ =	swait.ge [sflag:s0], $0x2000  }
0x9f: {  	[sflag:s0] =	ssyncset.done $0x0  }
0xa0: {  	s16 =	simm.s32 $0x7500;
	[sflag:s0] =	ssyncadd.s32 $0xFFFFE000  }
0xa1: {  	[spmem:s2] =	stream.indirect.scatter.add.f32 [tilespmem:s26], [sflag:$0x7], $0x40, s16, s22, $0xb8;
	[tilespmem:$0x19C00] =	vst v63  }
0xa2: {  	_ =	swait.ge [sflag:s25], $0x2000  }
0xa3: {  	[sflag:s25] =	ssyncset.done $0x0  }
0xa4: {  	s16 =	simm.s32 $0x7580;
	[sflag:s25] =	ssyncadd.s32 $0xFFFFE000  }
0xa5: {  	[spmem:s2] =	stream.indirect.scatter.add.f32 [tilespmem:s29], [sflag:$0x8], $0x40, s16, s22, $0xb8;
	[tilespmem:$0x19C00] =	vst v63  }
0xa6: {  	_ =	swait.ge [sflag:s1], $0x2000  }
0xa7: {  	[sflag:s1] =	ssyncset.done $0x0  }
0xa8: {  	s16 =	simm.s32 $0x800;
	[sflag:s1] =	ssyncadd.s32 $0xFFFFE000  }
0xa9: {  	[tilespmem:s23], [sflag:$0x1] =	stream.indirect.gather [hbm4b:s5+s22], $0x40, s16, s22, $0xb8;
	[tilespmem:$0x19C00] =	vst v63  }
0xaa: {  	_ =	swait.ge [sflag:s28], $0x2000  }
0xab: {  	[sflag:s28] =	ssyncset.done $0x0  }
0xac: {  	s16 =	simm.s32 $0x880;
	[sflag:s28] =	ssyncadd.s32 $0xFFFFE000  }
0xad: {  	[tilespmem:s24], [sflag:$0x2] =	stream.indirect.gather [hbm4b:s5+s22], $0x40, s16, s22, $0xb8;
	[tilespmem:$0x19C00] =	vst v63  }
0xae: {  	_ =	swait.ge [sflag:s18], $0x2000  }
0xaf: {  	[sflag:s18] =	ssyncset.done $0x0  }
0xb0: {  	s16 =	simm.s32 $0x900;
	[sflag:s18] =	ssyncadd.s32 $0xFFFFE000  }
0xb1: {  	[tilespmem:s26], [sflag:$0x3] =	stream.indirect.gather [hbm4b:s5+s22], $0x40, s16, s22, $0xb8;
	[tilespmem:$0x19C00] =	vst v63  }
0xb2: {  	_ =	swait.ge [sflag:s8], $0x2000  }
0xb3: {  	[sflag:s8] =	ssyncset.done $0x0  }
0xb4: {  	s16 =	simm.s32 $0x980;
	[sflag:s8] =	ssyncadd.s32 $0xFFFFE000  }
0xb5: {  	[tilespmem:s29], [sflag:$0x4] =	stream.indirect.gather [hbm4b:s5+s22], $0x40, s16, s22, $0xb8;
	[tilespmem:$0x19C00] =	vst v63  }
0xb6: {  	_ =	swait.ge [sflag:s30], $0x2000  }
0xb7: {  	[sflag:s30] =	ssyncset.done $0x0  }
0xb8: {  	s16 =	simm.s32 $0x7600;
	[sflag:s30] =	ssyncadd.s32 $0xFFFFE000  }
0xb9: {  	[spmem:s2] =	stream.indirect.scatter.add.f32 [tilespmem:s23], [sflag:$0x5], $0x40, s16, s22, $0xb8;
	[tilespmem:$0x19C00] =	vst v63  }
0xba: {  	_ =	swait.ge [sflag:s31], $0x2000  }
0xbb: {  	[sflag:s31] =	ssyncset.done $0x0  }
0xbc: {  	s16 =	simm.s32 $0x7680;
	[sflag:s31] =	ssyncadd.s32 $0xFFFFE000  }
0xbd: {  	[spmem:s2] =	stream.indirect.scatter.add.f32 [tilespmem:s24], [sflag:$0x6], $0x40, s16, s22, $0xb8;
	[tilespmem:$0x19C00] =	vst v63  }
0xbe: {  	_ =	swait.ge [sflag:s0], $0x2000  }
0xbf: {  	[sflag:s0] =	ssyncset.done $0x0  }
0xc0: {  	s16 =	simm.s32 $0x7700;
	[sflag:s0] =	ssyncadd.s32 $0xFFFFE000  }
0xc1: {  	[spmem:s2] =	stream.indirect.scatter.add.f32 [tilespmem:s26], [sflag:$0x7], $0x40, s16, s22, $0xb8;
	[tilespmem:$0x19C00] =	vst v63  }
0xc2: {  	_ =	swait.ge [sflag:s25], $0x2000  }
0xc3: {  	[sflag:s25] =	ssyncset.done $0x0  }
0xc4: {  	s16 =	simm.s32 $0x7780;
	[sflag:s25] =	ssyncadd.s32 $0xFFFFE000  }
0xc5: {  	[spmem:s2] =	stream.indirect.scatter.add.f32 [tilespmem:s29], [sflag:$0x8], $0x40, s16, s22, $0xb8;
	[tilespmem:$0x19C00] =	vst v63  }
0xc6: {  	_ =	swait.ge [sflag:s1], $0x2000  }
0xc7: {  	[sflag:s1] =	ssyncset.done $0x0  }
0xc8: {  	[sflag:s1] =	ssyncadd.s32 $0xFFFFE000  }
0xc9: {  	_ =	swait.ge [sflag:s28], $0x2000  }
0xca: {  	[sflag:s28] =	ssyncset.done $0x0  }
0xcb: {  	[sflag:s28] =	ssyncadd.s32 $0xFFFFE000  }
0xcc: {  	_ =	swait.ge [sflag:s18], $0x2000  }
0xcd: {  	[sflag:s18] =	ssyncset.done $0x0  }
0xce: {  	[sflag:s18] =	ssyncadd.s32 $0xFFFFE000  }
0xcf: {  	_ =	swait.ge [sflag:s8], $0x2000  }
0xd0: {  	[sflag:s8] =	ssyncset.done $0x0  }
0xd1: {  	[sflag:s8] =	ssyncadd.s32 $0xFFFFE000  }
0xd2: {  	[tilespmem:s23], [sflag:$0x1] =	stream.indirect.gather [hbm4b:s6+s22], $0x40, s11, s22, $0xb8;
	[tilespmem:$0x19C00] =	vst v63  }
0xd3: {  	s11 =	simm.s32 $0xA80  }
0xd4: {  	[tilespmem:s24], [sflag:$0x2] =	stream.indirect.gather [hbm4b:s6+s22], $0x40, s11, s22, $0xb8;
	[tilespmem:$0x19C00] =	vst v63  }
0xd5: {  	s16 =	simm.s32 $0xB00  }
0xd6: {  	[tilespmem:s26], [sflag:$0x3] =	stream.indirect.gather [hbm4b:s6+s22], $0x40, s16, s22, $0xb8;
	[tilespmem:$0x19C00] =	vst v63  }
0xd7: {  	s11 =	simm.s32 $0xB80  }
0xd8: {  	[tilespmem:s29], [sflag:$0x4] =	stream.indirect.gather [hbm4b:s6+s22], $0x40, s11, s22, $0xb8;
	[tilespmem:$0x19C00] =	vst v63  }
0xd9: {  	_ =	swait.ge [sflag:s30], $0x2000  }
0xda: {  	[sflag:s30] =	ssyncset.done $0x0  }
0xdb: {  	s16 =	simm.s32 $0x7800;
	[sflag:s30] =	ssyncadd.s32 $0xFFFFE000  }
0xdc: {  	[spmem:s3] =	stream.indirect.scatter.add.f32 [tilespmem:s23], [sflag:$0x5], $0x40, s16, s22, $0xb8;
	[tilespmem:$0x19C00] =	vst v63  }
0xdd: {  	_ =	swait.ge [sflag:s31], $0x2000  }
0xde: {  	[sflag:s31] =	ssyncset.done $0x0  }
0xdf: {  	s11 =	simm.s32 $0x7880;
	[sflag:s31] =	ssyncadd.s32 $0xFFFFE000  }
0xe0: {  	[spmem:s3] =	stream.indirect.scatter.add.f32 [tilespmem:s24], [sflag:$0x6], $0x40, s11, s22, $0xb8;
	[tilespmem:$0x19C00] =	vst v63  }
0xe1: {  	_ =	swait.ge [sflag:s0], $0x2000  }
0xe2: {  	[sflag:s0] =	ssyncset.done $0x0  }
0xe3: {  	s16 =	simm.s32 $0x7900;
	[sflag:s0] =	ssyncadd.s32 $0xFFFFE000  }
0xe4: {  	[spmem:s3] =	stream.indirect.scatter.add.f32 [tilespmem:s26], [sflag:$0x7], $0x40, s16, s22, $0xb8;
	[tilespmem:$0x19C00] =	vst v63  }
0xe5: {  	_ =	swait.ge [sflag:s25], $0x2000  }
0xe6: {  	[sflag:s25] =	ssyncset.done $0x0  }
0xe7: {  	s11 =	simm.s32 $0x7980;
	[sflag:s25] =	ssyncadd.s32 $0xFFFFE000  }
0xe8: {  	[spmem:s3] =	stream.indirect.scatter.add.f32 [tilespmem:s29], [sflag:$0x8], $0x40, s11, s22, $0xb8;
	[tilespmem:$0x19C00] =	vst v63  }
0xe9: {  	_ =	swait.ge [sflag:s1], $0x2000  }
0xea: {  	[sflag:s1] =	ssyncset.done $0x0  }
0xeb: {  	s16 =	simm.s32 $0xC00;
	[sflag:s1] =	ssyncadd.s32 $0xFFFFE000  }
0xec: {  	[tilespmem:s23], [sflag:$0x1] =	stream.indirect.gather [hbm4b:s6+s22], $0x40, s16, s22, $0xb8;
	[tilespmem:$0x19C00] =	vst v63  }
0xed: {  	_ =	swait.ge [sflag:s28], $0x2000  }
0xee: {  	[sflag:s28] =	ssyncset.done $0x0  }
0xef: {  	s11 =	simm.s32 $0xC80;
	[sflag:s28] =	ssyncadd.s32 $0xFFFFE000  }
0xf0: {  	[tilespmem:s24], [sflag:$0x2] =	stream.indirect.gather [hbm4b:s6+s22], $0x40, s11, s22, $0xb8;
	[tilespmem:$0x19C00] =	vst v63  }
0xf1: {  	_ =	swait.ge [sflag:s18], $0x2000  }
0xf2: {  	[sflag:s18] =	ssyncset.done $0x0  }
0xf3: {  	s16 =	simm.s32 $0xD00;
	[sflag:s18] =	ssyncadd.s32 $0xFFFFE000  }
0xf4: {  	[tilespmem:s26], [sflag:$0x3] =	stream.indirect.gather [hbm4b:s6+s22], $0x40, s16, s22, $0xb8;
	[tilespmem:$0x19C00] =	vst v63  }
0xf5: {  	_ =	swait.ge [sflag:s8], $0x2000  }
0xf6: {  	[sflag:s8] =	ssyncset.done $0x0  }
0xf7: {  	s10 =	simm.s32 $0x800;
	s11 =	simm.s32 $0xD80;
	[sflag:s8] =	ssyncadd.s32 $0xFFFFE000  }
.LBB2_2:
0xf8: {  	[tilespmem:s29], [sflag:$0x4] =	stream.indirect.gather [hbm4b:s6+s22], $0x40, s11, s22, $0xb8;
	[tilespmem:$0x19C00] =	vst v63  }
0xf9: {  	s11 =	smov.u32 s10  }
0xfa: {  	p0 =	sne.s32 s10, $0x18000;
	s10 =	sadd.s32 $0x800, s10;
	_ =	swait.ge [sflag:s30], $0x2000  }
0xfb: {  	s11 =	sshra.s32 s11, $0x2;
	[sflag:s30] =	ssyncset.done $0x0  }
0xfc: {  	s16 =	sadd.s32 $0x7800, s11;
	[sflag:s30] =	ssyncadd.s32 $0xFFFFE000  }
0xfd: {  	[spmem:s3] =	stream.indirect.scatter.add.f32 [tilespmem:s23], [sflag:$0x5], $0x40, s16, s22, $0xb8;
	[tilespmem:$0x19C00] =	vst v63  }
0xfe: {  	_ =	swait.ge [sflag:s31], $0x2000  }
0xff: {  	[sflag:s31] =	ssyncset.done $0x0  }
0x100: {  	s16 =	sadd.s32 $0x7880, s11;
	[sflag:s31] =	ssyncadd.s32 $0xFFFFE000  }
0x101: {  	[spmem:s3] =	stream.indirect.scatter.add.f32 [tilespmem:s24], [sflag:$0x6], $0x40, s16, s22, $0xb8;
	[tilespmem:$0x19C00] =	vst v63  }
0x102: {  	_ =	swait.ge [sflag:s0], $0x2000  }
0x103: {  	[sflag:s0] =	ssyncset.done $0x0  }
0x104: {  	s16 =	sadd.s32 $0x7900, s11;
	[sflag:s0] =	ssyncadd.s32 $0xFFFFE000  }
0x105: {  	[spmem:s3] =	stream.indirect.scatter.add.f32 [tilespmem:s26], [sflag:$0x7], $0x40, s16, s22, $0xb8;
	[tilespmem:$0x19C00] =	vst v63  }
0x106: {  	_ =	swait.ge [sflag:s25], $0x2000  }
0x107: {  	[sflag:s25] =	ssyncset.done $0x0  }
0x108: {  	s16 =	sadd.s32 $0x7980, s11;
	[sflag:s25] =	ssyncadd.s32 $0xFFFFE000  }
0x109: {  	[spmem:s3] =	stream.indirect.scatter.add.f32 [tilespmem:s29], [sflag:$0x8], $0x40, s16, s22, $0xb8;
	[tilespmem:$0x19C00] =	vst v63  }
0x10a: {  	_ =	swait.ge [sflag:s1], $0x2000  }
0x10b: {  	[sflag:s1] =	ssyncset.done $0x0  }
0x10c: {  	s16 =	sadd.s32 $0xC00, s11;
	[sflag:s1] =	ssyncadd.s32 $0xFFFFE000  }
0x10d: {  	[tilespmem:s23], [sflag:$0x1] =	stream.indirect.gather [hbm4b:s6+s22], $0x40, s16, s22, $0xb8;
	[tilespmem:$0x19C00] =	vst v63  }
0x10e: {  	_ =	swait.ge [sflag:s28], $0x2000  }
0x10f: {  	[sflag:s28] =	ssyncset.done $0x0  }
0x110: {  	s16 =	sadd.s32 $0xC80, s11;
	[sflag:s28] =	ssyncadd.s32 $0xFFFFE000  }
0x111: {  	[tilespmem:s24], [sflag:$0x2] =	stream.indirect.gather [hbm4b:s6+s22], $0x40, s16, s22, $0xb8;
	[tilespmem:$0x19C00] =	vst v63  }
0x112: {  	_ =	swait.ge [sflag:s18], $0x2000  }
0x113: {  	[sflag:s18] =	ssyncset.done $0x0  }
.Ltmp0:
0x114: {  	s16 =	sadd.s32 $0xD00, s11;
	[sflag:s18] =	ssyncadd.s32 $0xFFFFE000;
	(pc) =	sbr.rel @p0 .LBB2_2-.Ltmp0, $4  }
0x115: {  	[tilespmem:s26], [sflag:$0x3] =	stream.indirect.gather [hbm4b:s6+s22], $0x40, s16, s22, $0xb8;
	[tilespmem:$0x19C00] =	vst v63  }
0x116: {  	_ =	swait.ge [sflag:s8], $0x2000  }
0x117: {  	[sflag:s8] =	ssyncset.done $0x0  }
0x118: {  	s11 =	sadd.s32 $0xD80, s11;
	[sflag:s8] =	ssyncadd.s32 $0xFFFFE000  }
0x119: {  	[tilespmem:s29], [sflag:$0x4] =	stream.indirect.gather [hbm4b:s6+s22], $0x40, s11, s22, $0xb8;
	[tilespmem:$0x19C00] =	vst v63  }
0x11a: {  	_ =	swait.ge [sflag:s30], $0x2000  }
0x11b: {  	[sflag:s30] =	ssyncset.done $0x0  }
0x11c: {  	s10 =	simm.s32 $0xDA00;
	[sflag:s30] =	ssyncadd.s32 $0xFFFFE000  }
0x11d: {  	[spmem:s3] =	stream.indirect.scatter.add.f32 [tilespmem:s23], [sflag:$0x5], $0x40, s10, s22, $0xb8;
	[tilespmem:$0x19C00] =	vst v63  }
0x11e: {  	_ =	swait.ge [sflag:s31], $0x2000  }
0x11f: {  	[sflag:s31] =	ssyncset.done $0x0  }
0x120: {  	s16 =	simm.s32 $0xDA80;
	[sflag:s31] =	ssyncadd.s32 $0xFFFFE000  }
0x121: {  	[spmem:s3] =	stream.indirect.scatter.add.f32 [tilespmem:s24], [sflag:$0x6], $0x40, s16, s22, $0xb8;
	[tilespmem:$0x19C00] =	vst v63  }
0x122: {  	_ =	swait.ge [sflag:s0], $0x2000  }
0x123: {  	[sflag:s0] =	ssyncset.done $0x0  }
0x124: {  	s11 =	simm.s32 $0xDB00;
	[sflag:s0] =	ssyncadd.s32 $0xFFFFE000  }
0x125: {  	[spmem:s3] =	stream.indirect.scatter.add.f32 [tilespmem:s26], [sflag:$0x7], $0x40, s11, s22, $0xb8;
	[tilespmem:$0x19C00] =	vst v63  }
0x126: {  	_ =	swait.ge [sflag:s25], $0x2000  }
0x127: {  	[sflag:s25] =	ssyncset.done $0x0  }
0x128: {  	s16 =	simm.s32 $0xDB80;
	[sflag:s25] =	ssyncadd.s32 $0xFFFFE000  }
0x129: {  	[spmem:s3] =	stream.indirect.scatter.add.f32 [tilespmem:s29], [sflag:$0x8], $0x40, s16, s22, $0xb8;
	[tilespmem:$0x19C00] =	vst v63  }
0x12a: {  	_ =	swait.ge [sflag:s1], $0x2000  }
0x12b: {  	[sflag:s1] =	ssyncset.done $0x0  }
0x12c: {  	[sflag:s1] =	ssyncadd.s32 $0xFFFFE000  }
0x12d: {  	_ =	swait.ge [sflag:s28], $0x2000  }
0x12e: {  	[sflag:s28] =	ssyncset.done $0x0  }
0x12f: {  	[sflag:s28] =	ssyncadd.s32 $0xFFFFE000  }
0x130: {  	_ =	swait.ge [sflag:s18], $0x2000  }
0x131: {  	[sflag:s18] =	ssyncset.done $0x0  }
0x132: {  	[sflag:s18] =	ssyncadd.s32 $0xFFFFE000  }
0x133: {  	_ =	swait.ge [sflag:s8], $0x2000  }
0x134: {  	[sflag:s8] =	ssyncset.done $0x0  }
0x135: {  	[sflag:s8] =	ssyncadd.s32 $0xFFFFE000  }
0x136: {  	[hbm:s12], [sflag:s19] =	dma.local [spmem:s20], $0x400  }
0x137: {  	s9 =	sadd.s32 $0x1, s9;
	_ =	swait.ge [sflag:s15], $0x400  }
0x138: {  	p0 =	sne.s32 s9, s14;
	[sflag:s15] =	ssyncset.done $0x0  }
.Ltmp1:
0x139: {  	[sflag:s15] =	ssyncadd.s32 $0xFFFFFC00;
	(pc) =	sbr.rel @p0 .LBB2_1-.Ltmp1, $4  }
0x13a: {  	[hbm:s13], [sflag:s19] =	dma.local [spmem:s21], $0x400  }
0x13b: {  	_ =	swait.ge [sflag:s15], $0x400  }
0x13c: {  	[sflag:s15] =	ssyncset.done $0x0  }
0x13d: {  	[sflag:s15] =	ssyncadd.s32 $0xFFFFFC00  }
0x13e: {  	_ =	sfence.sel $0x180000  }
0x13f: {  	[bflag:$0x0] =	sbarrier.arrive $0xFFFF  }
0x140: {  	_ =	strace $0x90000047  }
0x141: {  	s0 =	stileid.u32;
	[bflag:$0x2] =	sbarrier.arrive $0xFFFF  }
0x142: {  	p0 =	sne.s32 s0, $0x0;
	s0 =	rddreg [dreg:$0x3]  }
0x143: {  	s0 =	sadd.s32 @!p0 $0x100000, s0  }
0x144: {  	[sflag:s0] =	ssyncadd.tile.s32 @!p0 $0x1;
	_ =	shalt  }
.Lfunc_end2:
_tile_overlayer_lowered:
.L_overlay_start_2:
0x145: {  	(tag) =	ssettag $0x2  }
0x146: {  	s0 =	rddreg [dreg:$0x0];
	s2 =	stileid.u32  }
0x147: {  	s1 =	rddreg [dreg:$0x1];
	p0 =	sne.s32 s2, $0x0  }
0x148: {  	s3 =	rddreg [dreg:$0x2];
	[bflag:$0x3] =	sbarrier.arrive $0xFFFF;
	s2 =	simm.s32 @!p0 $0x1C09  }
0x149: {  	[timem:s3], [sflag:s2] =	dma.local @!p0 [hbm:s0], s1  }
0x14a: {  	s0 =	simm.s32 @!p0 $0x9  }
0x14b: {  	_ =	swait.ge @!p0 [sflag:s0], s1  }
0x14c: {  	s1 =	ssub.s32 @!p0 $0x0, s1;
	[sflag:s0] =	ssyncset.done @!p0 $0x0  }
0x14d: {  	[sflag:s0] =	ssyncadd.s32 @!p0 s1  }
0x14e: {  	[bflag:$0x3] =	sbarrier.arrive $0xFFFF  }
0x14f: {  	_ =	shalt  }

</sc_bundles>
